<compile_context>
chip_gen: v7x
topology: tpu7x:2x2x1
jax: 0.10.2.dev20260603
libtpu: 0.0.44.dev20260713+nightly
codegen_flags: <defaults>
</compile_context>

<pallas_src>
import functools
import math

import jax
import jax.numpy as jnp
from jax import lax
from jax.experimental import pallas as pl
from jax.experimental.pallas import tpu as pltpu
from jax.experimental.pallas import tpu_sc as plsc

EPS = 1e-7
_LOG2E = math.log2(math.e)
_LN2 = math.log(2.0)

_ATAN_COEFS = (
    9.9999999375e-01, -3.3333137975e-01, 1.9993694319e-01, -1.4211106055e-01,
    1.0667486906e-01, -7.5569002114e-02, 4.3278241863e-02, -1.6413190479e-02,
    2.9327619590e-03,
)

_NSUB = 32
_LANES = 16


def _atan_pos(x):
    y = jnp.minimum(x, 1.0)
    r = 1.0 / jnp.maximum(x, 1.0)
    y2 = y * y
    r2 = r * r
    py = _ATAN_COEFS[-1]
    pr = _ATAN_COEFS[-1]
    for c in _ATAN_COEFS[-2::-1]:
        py = py * y2 + c
        pr = pr * r2 + c
    small = y * py
    big = (math.pi / 2) - r * pr
    return jnp.where(x <= 1.0, small, big)


def _ciou_loss(px1, py1, px2, py2, tx1, ty1, tx2, ty2, w):
    xmin_i = jnp.maximum(px1, tx1)
    ymin_i = jnp.maximum(py1, ty1)
    xmax_i = jnp.minimum(px2, tx2)
    ymax_i = jnp.minimum(py2, ty2)
    inter = (jnp.maximum(xmax_i - xmin_i, 0.0)
             * jnp.maximum(ymax_i - ymin_i, 0.0))
    a1 = (px2 - px1) * (py2 - py1)
    a2 = (tx2 - tx1) * (ty2 - ty1)
    union = a1 + a2 - inter
    iou = inter / (union + EPS)
    cdx = (px2 + px1) - (tx2 + tx1)
    cdy = (py2 + py1) - (ty2 + ty1)
    cent = cdx * cdx + cdy * cdy
    c_x = jnp.maximum(px2, tx2) - jnp.minimum(px1, tx1)
    c_y = jnp.maximum(py2, ty2) - jnp.minimum(py1, ty1)
    diag = 4.0 * (c_x * c_x + c_y * c_y) + 4.0 * EPS
    diou = iou - cent / diag
    arct = _atan_pos((px2 - px1) / (py2 - py1 + EPS)) - _atan_pos(
        (tx2 - tx1) / (ty2 - ty1 + EPS))
    v = (4.0 / math.pi**2) * arct * arct
    alpha = v / (v - iou + 1.0 + EPS)
    ciou = diou - alpha * v
    return (1.0 - ciou) * w


def _bce_body(p_ref, t_ref, out_ref, acc_ref):
    i = pl.program_id(0)
    p = p_ref[...]
    t = t_ref[...]
    softplus = jnp.log2(1.0 + jnp.exp2(p * _LOG2E)) * _LN2
    partial = jnp.sum(softplus - p * t, axis=(0, 1))

    @pl.when(i == 0)
    def _():
        acc_ref[0, :] = partial

    @pl.when(i > 0)
    def _():
        acc_ref[0, :] += partial

    @pl.when(i == pl.num_programs(0) - 1)
    def _():
        out_ref[0, 0] = jnp.sum(acc_ref[0, :])


def _bce_sum(predicts_cls, targets_cls):
    B, A, C = predicts_cls.shape
    spec = pl.BlockSpec((2, A, C), lambda i: (i, 0, 0))
    out = pl.pallas_call(
        _bce_body,
        grid=(B // 2,),
        in_specs=[spec, spec],
        out_specs=pl.BlockSpec(memory_space=pltpu.SMEM),
        out_shape=jax.ShapeDtypeStruct((1, 1), jnp.float32),
        scratch_shapes=[pltpu.VMEM((1, C), jnp.float32)],
        compiler_params=pltpu.CompilerParams(vmem_limit_bytes=100 << 20),
    )(predicts_cls, targets_cls)
    return out[0, 0]


def _sc_box_partials(comps, n_per_sub):
    n_iter = n_per_sub // _LANES
    n_total = _NSUB * n_per_sub
    mesh = plsc.VectorSubcoreMesh(core_axis_name="c", subcore_axis_name="s")

    @functools.partial(
        pl.kernel,
        mesh=mesh,
        out_type=jax.ShapeDtypeStruct((_NSUB, _LANES), jnp.float32),
        scratch_types=[
            pltpu.VMEM((9 * n_per_sub,), jnp.float32),
            pltpu.VMEM((_LANES,), jnp.float32),
        ],
    )
    def sc_kernel(comps_hbm, out_hbm, buf, acc):
        cid = lax.axis_index("c")
        sid = lax.axis_index("s")
        wid = sid * 2 + cid
        base = wid * n_per_sub
        for k in range(9):
            pltpu.sync_copy(comps_hbm.at[pl.ds(k * n_total + base, n_per_sub)],
                            buf.at[pl.ds(k * n_per_sub, n_per_sub)])
        acc[...] = jnp.zeros((_LANES,), jnp.float32)

        def body(i, _):
            off = i * _LANES
            vals = [buf[pl.ds(k * n_per_sub + off, _LANES)] for k in range(9)]
            acc[...] += _ciou_loss(*vals)
            return 0

        lax.fori_loop(0, n_iter, body, 0, unroll=4)
        pltpu.sync_copy(acc, out_hbm.at[wid])

    return sc_kernel(comps)


def kernel(predicts_cls, predicts_bbox, targets_cls, targets_bbox,
           valid_masks, box_norm, cls_norm):
    B, A, C = predicts_cls.shape
    n_box = B * A
    n_per_sub = -(-n_box // (_NSUB * _LANES)) * _LANES
    n_pad = _NSUB * n_per_sub

    pb = predicts_bbox.reshape(n_box, 4)
    tb = targets_bbox.reshape(n_box, 4)
    w = valid_masks.reshape(n_box).astype(jnp.float32) * box_norm.reshape(n_box)
    z = jnp.zeros((n_pad - n_box,), jnp.float32)
    comps = jnp.concatenate([pb[:, 0], z, pb[:, 1], z, pb[:, 2], z,
                             pb[:, 3], z, tb[:, 0], z, tb[:, 1], z,
                             tb[:, 2], z, tb[:, 3], z, w, z])

    iou_partials = _sc_box_partials(comps, n_per_sub)
    bce_total = _bce_sum(predicts_cls, targets_cls)

    loss_cls = bce_total / cls_norm
    loss_iou = jnp.sum(iou_partials) / cls_norm
    return (loss_cls, loss_iou)

# --- scband reference (transcript-rebuilt; emitter-appended) ---
"""Pipeline reference for scband-yolov9-loss-4398046511284 (READ-ONLY COPY).

The authoritative reference and input builder live on the scoring server;
editing this copy changes nothing except your own understanding.
"""

import jax, jax.numpy as jnp
import numpy as np
import math

EPS = 1e-7

def _ciou_diag(b1, b2):
    # b1, b2: [N, 4] in xyxy; returns elementwise (paired) CIoU [N]
    xmin_i = jnp.maximum(b1[:, 0], b2[:, 0])
    ymin_i = jnp.maximum(b1[:, 1], b2[:, 1])
    xmax_i = jnp.minimum(b1[:, 2], b2[:, 2])
    ymax_i = jnp.minimum(b1[:, 3], b2[:, 3])
    inter = jnp.clip(xmax_i - xmin_i, 0) * jnp.clip(ymax_i - ymin_i, 0)
    a1 = (b1[:, 2] - b1[:, 0]) * (b1[:, 3] - b1[:, 1])
    a2 = (b2[:, 2] - b2[:, 0]) * (b2[:, 3] - b2[:, 1])
    union = a1 + a2 - inter
    iou = inter / (union + EPS)
    cx1 = (b1[:, 2] + b1[:, 0]) / 2
    cy1 = (b1[:, 3] + b1[:, 1]) / 2
    cx2 = (b2[:, 2] + b2[:, 0]) / 2
    cy2 = (b2[:, 3] + b2[:, 1]) / 2
    cent = (cx1 - cx2) ** 2 + (cy1 - cy2) ** 2
    c_x = jnp.maximum(b1[:, 2], b2[:, 2]) - jnp.minimum(b1[:, 0], b2[:, 0])
    c_y = jnp.maximum(b1[:, 3], b2[:, 3]) - jnp.minimum(b1[:, 1], b2[:, 1])
    diag = c_x ** 2 + c_y ** 2 + EPS
    diou = iou - cent / diag
    arctan = jnp.arctan((b1[:, 2] - b1[:, 0]) / (b1[:, 3] - b1[:, 1] + EPS)) - jnp.arctan((b2[:, 2] - b2[:, 0]) / (b2[:, 3] - b2[:, 1] + EPS))
    v = 4.0 / math.pi ** 2 * arctan ** 2
    alpha = jax.lax.stop_gradient(v / (v - iou + 1 + EPS))
    return diou - alpha * v


def _rand_boxes(key, shape_prefix):
    k1, k2 = jax.random.split(key)
    cxy = jax.random.uniform(k1, shape_prefix + (2,), minval=0.0, maxval=640.0)
    wh = jax.random.uniform(k2, shape_prefix + (2,), minval=4.0, maxval=200.0)
    xy1 = cxy - wh / 2
    xy2 = cxy + wh / 2
    return jnp.concatenate([xy1, xy2], axis=-1)


def setup_inputs(seed: int = 0) -> dict:
    key = jax.random.key(seed)
    ks = jax.random.split(key, 8)
    B, A, C = 8, 8400, 80
    predicts_cls = jax.random.normal(ks[0], (B, A, C), dtype=jnp.float32)
    predicts_bbox = _rand_boxes(ks[1], (B, A))
    targets_cls = jax.random.uniform(ks[2], (B, A, C), dtype=jnp.float32)
    targets_bbox = _rand_boxes(ks[3], (B, A))
    valid_masks = jax.random.randint(ks[4], (B, A), 0, 2).astype(bool)
    box_norm = jax.random.uniform(ks[5], (B, A), dtype=jnp.float32)
    cls_norm = jnp.ones((), dtype=jnp.float32) * 1000.0
    return {
        'predicts_cls': predicts_cls,
        'predicts_bbox': predicts_bbox,
        'targets_cls': targets_cls,
        'targets_bbox': targets_bbox,
        'valid_masks': valid_masks,
        'box_norm': box_norm,
        'cls_norm': cls_norm,
    }


def reference(predicts_cls, predicts_bbox, targets_cls, targets_bbox, valid_masks, box_norm, cls_norm):
    # BCE classification loss (BCEWithLogits, sum / cls_norm)
    p = predicts_cls
    t = targets_cls
    # numerically stable bce-with-logits
    bce = jnp.maximum(p, 0) - p * t + jnp.log1p(jnp.exp(-jnp.abs(p)))
    loss_cls = bce.sum() / cls_norm

    # Box loss: masked CIoU. In torch, valid entries are gathered; here we use
    # the mask multiplicatively (same sum since invalid contribute 0).
    m = valid_masks.astype(jnp.float32)
    pb = predicts_bbox.reshape(-1, 4)
    tb = targets_bbox.reshape(-1, 4)
    ciou = _ciou_diag(pb, tb).reshape(valid_masks.shape)
    loss_iou_el = (1.0 - ciou) * m
    loss_iou = (loss_iou_el * box_norm).sum() / cls_norm

    return (loss_cls, loss_iou)

if __name__ == "__main__":
    import jax
    _d = setup_inputs()
    print(jax.jit(kernel)(*tuple(_d.values())))

</pallas_src>

<mosaic_0001>
#map = affine_map<(d0, d1) -> (0)>
#map1 = affine_map<(d0, d1) -> (0, 0)>
module attributes {stable_mosaic.version = 14 : i64} {
  func.func @sc_kernel(%arg0: i32, %arg1: i32, %arg2: memref<608256xf32, #tpu.memory_space<hbm>>, %arg3: memref<32x16xf32, #tpu.memory_space<hbm>>, %arg4: memref<19008xf32, #tpu.memory_space<vmem>>, %arg5: memref<16xf32, #tpu.memory_space<vmem>>) attributes {dimension_semantics = [#tpu.dimension_semantics<core_parallel>, #tpu.dimension_semantics<subcore_parallel>], iteration_bounds = array<i64: 2, 16>, scalar_prefetch = 0 : i64, scratch_operands = 2 : i64, tpu.core_type = #tpu.core_type<sc_vector_subcore>, window_params = [{transform_indices = #map}, {transform_indices = #map1}]} {
    %mul3A = arith.constant 2 : i32
    %mul3A_0 = arith.muli %arg1, %mul3A : i32
    %add3A = arith.addi %mul3A_0, %arg0 : i32
    %mul3A_1 = arith.constant 2112 : i32
    %mul3A_2 = arith.muli %add3A, %mul3A_1 : i32
    %add3A_3 = arith.constant 0 : i32
    %add3A_4 = arith.addi %add3A_3, %mul3A_2 : i32
    "tpu.region"() ({
      %run_scoped3A = tpu.sem_alloc : memref<!tpu.dma_semaphore, #tpu.memory_space<semaphore_mem>>
      %dma_start3A = arith.constant 0 : i32
      %dma_start3A_31 = tpu.memref_slice %arg4[%dma_start3A] : memref<19008xf32, #tpu.memory_space<vmem>> -> memref<2112xf32, #tpu.memory_space<vmem>>
      %dma_start3A_32 = tpu.memref_slice %arg2[%add3A_4] : memref<608256xf32, #tpu.memory_space<hbm>> -> memref<2112xf32, #tpu.memory_space<hbm>>
      %dma_start3A_33 = arith.constant 0 : i32
      %dma_start3A_34 = tpu.memref_slice %arg4[%dma_start3A_33] : memref<19008xf32, #tpu.memory_space<vmem>> -> memref<2112xf32, #tpu.memory_space<vmem>>
      %dma_start3A_35 = tpu.memref_slice %arg2[%add3A_4] : memref<608256xf32, #tpu.memory_space<hbm>> -> memref<2112xf32, #tpu.memory_space<hbm>>
      tpu.enqueue_dma source(%dma_start3A_35 : memref<2112xf32, #tpu.memory_space<hbm>>) target(%dma_start3A_34 : memref<2112xf32, #tpu.memory_space<vmem>>) target_semaphore(%run_scoped3A : memref<!tpu.dma_semaphore, #tpu.memory_space<semaphore_mem>>)
      %dma_wait3A = arith.constant 0 : i32
      %dma_wait3A_36 = tpu.memref_slice %arg4[%dma_wait3A] : memref<19008xf32, #tpu.memory_space<vmem>> -> memref<2112xf32, #tpu.memory_space<vmem>>
      %dma_wait3A_37 = tpu.memref_slice %arg2[%add3A_4] : memref<608256xf32, #tpu.memory_space<hbm>> -> memref<2112xf32, #tpu.memory_space<hbm>>
      %dma_wait3A_38 = arith.constant 0 : i32
      %dma_wait3A_39 = tpu.memref_slice %arg4[%dma_wait3A_38] : memref<19008xf32, #tpu.memory_space<vmem>> -> memref<2112xf32, #tpu.memory_space<vmem>>
      %dma_wait3A_40 = tpu.memref_slice %arg2[%add3A_4] : memref<608256xf32, #tpu.memory_space<hbm>> -> memref<2112xf32, #tpu.memory_space<hbm>>
      tpu.wait_dma2 semaphore(%run_scoped3A : memref<!tpu.dma_semaphore, #tpu.memory_space<semaphore_mem>>) src(%dma_wait3A_40 : memref<2112xf32, #tpu.memory_space<hbm>>) dst(%dma_wait3A_39 : memref<2112xf32, #tpu.memory_space<vmem>>)
      tpu.yield
    }) : () -> ()
    %add3A_5 = arith.constant 67584 : i32
    %add3A_6 = arith.addi %add3A_5, %mul3A_2 : i32
    "tpu.region"() ({
      %run_scoped3A = tpu.sem_alloc : memref<!tpu.dma_semaphore, #tpu.memory_space<semaphore_mem>>
      %dma_start3A = arith.constant 2112 : i32
      %dma_start3A_31 = tpu.memref_slice %arg4[%dma_start3A] : memref<19008xf32, #tpu.memory_space<vmem>> -> memref<2112xf32, #tpu.memory_space<vmem>>
      %dma_start3A_32 = tpu.memref_slice %arg2[%add3A_6] : memref<608256xf32, #tpu.memory_space<hbm>> -> memref<2112xf32, #tpu.memory_space<hbm>>
      %dma_start3A_33 = arith.constant 2112 : i32
      %dma_start3A_34 = tpu.memref_slice %arg4[%dma_start3A_33] : memref<19008xf32, #tpu.memory_space<vmem>> -> memref<2112xf32, #tpu.memory_space<vmem>>
      %dma_start3A_35 = tpu.memref_slice %arg2[%add3A_6] : memref<608256xf32, #tpu.memory_space<hbm>> -> memref<2112xf32, #tpu.memory_space<hbm>>
      tpu.enqueue_dma source(%dma_start3A_35 : memref<2112xf32, #tpu.memory_space<hbm>>) target(%dma_start3A_34 : memref<2112xf32, #tpu.memory_space<vmem>>) target_semaphore(%run_scoped3A : memref<!tpu.dma_semaphore, #tpu.memory_space<semaphore_mem>>)
      %dma_wait3A = arith.constant 2112 : i32
      %dma_wait3A_36 = tpu.memref_slice %arg4[%dma_wait3A] : memref<19008xf32, #tpu.memory_space<vmem>> -> memref<2112xf32, #tpu.memory_space<vmem>>
      %dma_wait3A_37 = tpu.memref_slice %arg2[%add3A_6] : memref<608256xf32, #tpu.memory_space<hbm>> -> memref<2112xf32, #tpu.memory_space<hbm>>
      %dma_wait3A_38 = arith.constant 2112 : i32
      %dma_wait3A_39 = tpu.memref_slice %arg4[%dma_wait3A_38] : memref<19008xf32, #tpu.memory_space<vmem>> -> memref<2112xf32, #tpu.memory_space<vmem>>
      %dma_wait3A_40 = tpu.memref_slice %arg2[%add3A_6] : memref<608256xf32, #tpu.memory_space<hbm>> -> memref<2112xf32, #tpu.memory_space<hbm>>
      tpu.wait_dma2 semaphore(%run_scoped3A : memref<!tpu.dma_semaphore, #tpu.memory_space<semaphore_mem>>) src(%dma_wait3A_40 : memref<2112xf32, #tpu.memory_space<hbm>>) dst(%dma_wait3A_39 : memref<2112xf32, #tpu.memory_space<vmem>>)
      tpu.yield
    }) : () -> ()
    %add3A_7 = arith.constant 135168 : i32
    %add3A_8 = arith.addi %add3A_7, %mul3A_2 : i32
    "tpu.region"() ({
      %run_scoped3A = tpu.sem_alloc : memref<!tpu.dma_semaphore, #tpu.memory_space<semaphore_mem>>
      %dma_start3A = arith.constant 4224 : i32
      %dma_start3A_31 = tpu.memref_slice %arg4[%dma_start3A] : memref<19008xf32, #tpu.memory_space<vmem>> -> memref<2112xf32, #tpu.memory_space<vmem>>
      %dma_start3A_32 = tpu.memref_slice %arg2[%add3A_8] : memref<608256xf32, #tpu.memory_space<hbm>> -> memref<2112xf32, #tpu.memory_space<hbm>>
      %dma_start3A_33 = arith.constant 4224 : i32
      %dma_start3A_34 = tpu.memref_slice %arg4[%dma_start3A_33] : memref<19008xf32, #tpu.memory_space<vmem>> -> memref<2112xf32, #tpu.memory_space<vmem>>
      %dma_start3A_35 = tpu.memref_slice %arg2[%add3A_8] : memref<608256xf32, #tpu.memory_space<hbm>> -> memref<2112xf32, #tpu.memory_space<hbm>>
      tpu.enqueue_dma source(%dma_start3A_35 : memref<2112xf32, #tpu.memory_space<hbm>>) target(%dma_start3A_34 : memref<2112xf32, #tpu.memory_space<vmem>>) target_semaphore(%run_scoped3A : memref<!tpu.dma_semaphore, #tpu.memory_space<semaphore_mem>>)
      %dma_wait3A = arith.constant 4224 : i32
      %dma_wait3A_36 = tpu.memref_slice %arg4[%dma_wait3A] : memref<19008xf32, #tpu.memory_space<vmem>> -> memref<2112xf32, #tpu.memory_space<vmem>>
      %dma_wait3A_37 = tpu.memref_slice %arg2[%add3A_8] : memref<608256xf32, #tpu.memory_space<hbm>> -> memref<2112xf32, #tpu.memory_space<hbm>>
      %dma_wait3A_38 = arith.constant 4224 : i32
      %dma_wait3A_39 = tpu.memref_slice %arg4[%dma_wait3A_38] : memref<19008xf32, #tpu.memory_space<vmem>> -> memref<2112xf32, #tpu.memory_space<vmem>>
      %dma_wait3A_40 = tpu.memref_slice %arg2[%add3A_8] : memref<608256xf32, #tpu.memory_space<hbm>> -> memref<2112xf32, #tpu.memory_space<hbm>>
      tpu.wait_dma2 semaphore(%run_scoped3A : memref<!tpu.dma_semaphore, #tpu.memory_space<semaphore_mem>>) src(%dma_wait3A_40 : memref<2112xf32, #tpu.memory_space<hbm>>) dst(%dma_wait3A_39 : memref<2112xf32, #tpu.memory_space<vmem>>)
      tpu.yield
    }) : () -> ()
    %add3A_9 = arith.constant 202752 : i32
    %add3A_10 = arith.addi %add3A_9, %mul3A_2 : i32
    "tpu.region"() ({
      %run_scoped3A = tpu.sem_alloc : memref<!tpu.dma_semaphore, #tpu.memory_space<semaphore_mem>>
      %dma_start3A = arith.constant 6336 : i32
      %dma_start3A_31 = tpu.memref_slice %arg4[%dma_start3A] : memref<19008xf32, #tpu.memory_space<vmem>> -> memref<2112xf32, #tpu.memory_space<vmem>>
      %dma_start3A_32 = tpu.memref_slice %arg2[%add3A_10] : memref<608256xf32, #tpu.memory_space<hbm>> -> memref<2112xf32, #tpu.memory_space<hbm>>
      %dma_start3A_33 = arith.constant 6336 : i32
      %dma_start3A_34 = tpu.memref_slice %arg4[%dma_start3A_33] : memref<19008xf32, #tpu.memory_space<vmem>> -> memref<2112xf32, #tpu.memory_space<vmem>>
      %dma_start3A_35 = tpu.memref_slice %arg2[%add3A_10] : memref<608256xf32, #tpu.memory_space<hbm>> -> memref<2112xf32, #tpu.memory_space<hbm>>
      tpu.enqueue_dma source(%dma_start3A_35 : memref<2112xf32, #tpu.memory_space<hbm>>) target(%dma_start3A_34 : memref<2112xf32, #tpu.memory_space<vmem>>) target_semaphore(%run_scoped3A : memref<!tpu.dma_semaphore, #tpu.memory_space<semaphore_mem>>)
      %dma_wait3A = arith.constant 6336 : i32
      %dma_wait3A_36 = tpu.memref_slice %arg4[%dma_wait3A] : memref<19008xf32, #tpu.memory_space<vmem>> -> memref<2112xf32, #tpu.memory_space<vmem>>
      %dma_wait3A_37 = tpu.memref_slice %arg2[%add3A_10] : memref<608256xf32, #tpu.memory_space<hbm>> -> memref<2112xf32, #tpu.memory_space<hbm>>
      %dma_wait3A_38 = arith.constant 6336 : i32
      %dma_wait3A_39 = tpu.memref_slice %arg4[%dma_wait3A_38] : memref<19008xf32, #tpu.memory_space<vmem>> -> memref<2112xf32, #tpu.memory_space<vmem>>
      %dma_wait3A_40 = tpu.memref_slice %arg2[%add3A_10] : memref<608256xf32, #tpu.memory_space<hbm>> -> memref<2112xf32, #tpu.memory_space<hbm>>
      tpu.wait_dma2 semaphore(%run_scoped3A : memref<!tpu.dma_semaphore, #tpu.memory_space<semaphore_mem>>) src(%dma_wait3A_40 : memref<2112xf32, #tpu.memory_space<hbm>>) dst(%dma_wait3A_39 : memref<2112xf32, #tpu.memory_space<vmem>>)
      tpu.yield
    }) : () -> ()
    %add3A_11 = arith.constant 270336 : i32
    %add3A_12 = arith.addi %add3A_11, %mul3A_2 : i32
    "tpu.region"() ({
      %run_scoped3A = tpu.sem_alloc : memref<!tpu.dma_semaphore, #tpu.memory_space<semaphore_mem>>
      %dma_start3A = arith.constant 8448 : i32
      %dma_start3A_31 = tpu.memref_slice %arg4[%dma_start3A] : memref<19008xf32, #tpu.memory_space<vmem>> -> memref<2112xf32, #tpu.memory_space<vmem>>
      %dma_start3A_32 = tpu.memref_slice %arg2[%add3A_12] : memref<608256xf32, #tpu.memory_space<hbm>> -> memref<2112xf32, #tpu.memory_space<hbm>>
      %dma_start3A_33 = arith.constant 8448 : i32
      %dma_start3A_34 = tpu.memref_slice %arg4[%dma_start3A_33] : memref<19008xf32, #tpu.memory_space<vmem>> -> memref<2112xf32, #tpu.memory_space<vmem>>
      %dma_start3A_35 = tpu.memref_slice %arg2[%add3A_12] : memref<608256xf32, #tpu.memory_space<hbm>> -> memref<2112xf32, #tpu.memory_space<hbm>>
      tpu.enqueue_dma source(%dma_start3A_35 : memref<2112xf32, #tpu.memory_space<hbm>>) target(%dma_start3A_34 : memref<2112xf32, #tpu.memory_space<vmem>>) target_semaphore(%run_scoped3A : memref<!tpu.dma_semaphore, #tpu.memory_space<semaphore_mem>>)
      %dma_wait3A = arith.constant 8448 : i32
      %dma_wait3A_36 = tpu.memref_slice %arg4[%dma_wait3A] : memref<19008xf32, #tpu.memory_space<vmem>> -> memref<2112xf32, #tpu.memory_space<vmem>>
      %dma_wait3A_37 = tpu.memref_slice %arg2[%add3A_12] : memref<608256xf32, #tpu.memory_space<hbm>> -> memref<2112xf32, #tpu.memory_space<hbm>>
      %dma_wait3A_38 = arith.constant 8448 : i32
      %dma_wait3A_39 = tpu.memref_slice %arg4[%dma_wait3A_38] : memref<19008xf32, #tpu.memory_space<vmem>> -> memref<2112xf32, #tpu.memory_space<vmem>>
      %dma_wait3A_40 = tpu.memref_slice %arg2[%add3A_12] : memref<608256xf32, #tpu.memory_space<hbm>> -> memref<2112xf32, #tpu.memory_space<hbm>>
      tpu.wait_dma2 semaphore(%run_scoped3A : memref<!tpu.dma_semaphore, #tpu.memory_space<semaphore_mem>>) src(%dma_wait3A_40 : memref<2112xf32, #tpu.memory_space<hbm>>) dst(%dma_wait3A_39 : memref<2112xf32, #tpu.memory_space<vmem>>)
      tpu.yield
    }) : () -> ()
    %add3A_13 = arith.constant 337920 : i32
    %add3A_14 = arith.addi %add3A_13, %mul3A_2 : i32
    "tpu.region"() ({
      %run_scoped3A = tpu.sem_alloc : memref<!tpu.dma_semaphore, #tpu.memory_space<semaphore_mem>>
      %dma_start3A = arith.constant 10560 : i32
      %dma_start3A_31 = tpu.memref_slice %arg4[%dma_start3A] : memref<19008xf32, #tpu.memory_space<vmem>> -> memref<2112xf32, #tpu.memory_space<vmem>>
      %dma_start3A_32 = tpu.memref_slice %arg2[%add3A_14] : memref<608256xf32, #tpu.memory_space<hbm>> -> memref<2112xf32, #tpu.memory_space<hbm>>
      %dma_start3A_33 = arith.constant 10560 : i32
      %dma_start3A_34 = tpu.memref_slice %arg4[%dma_start3A_33] : memref<19008xf32, #tpu.memory_space<vmem>> -> memref<2112xf32, #tpu.memory_space<vmem>>
      %dma_start3A_35 = tpu.memref_slice %arg2[%add3A_14] : memref<608256xf32, #tpu.memory_space<hbm>> -> memref<2112xf32, #tpu.memory_space<hbm>>
      tpu.enqueue_dma source(%dma_start3A_35 : memref<2112xf32, #tpu.memory_space<hbm>>) target(%dma_start3A_34 : memref<2112xf32, #tpu.memory_space<vmem>>) target_semaphore(%run_scoped3A : memref<!tpu.dma_semaphore, #tpu.memory_space<semaphore_mem>>)
      %dma_wait3A = arith.constant 10560 : i32
      %dma_wait3A_36 = tpu.memref_slice %arg4[%dma_wait3A] : memref<19008xf32, #tpu.memory_space<vmem>> -> memref<2112xf32, #tpu.memory_space<vmem>>
      %dma_wait3A_37 = tpu.memref_slice %arg2[%add3A_14] : memref<608256xf32, #tpu.memory_space<hbm>> -> memref<2112xf32, #tpu.memory_space<hbm>>
      %dma_wait3A_38 = arith.constant 10560 : i32
      %dma_wait3A_39 = tpu.memref_slice %arg4[%dma_wait3A_38] : memref<19008xf32, #tpu.memory_space<vmem>> -> memref<2112xf32, #tpu.memory_space<vmem>>
      %dma_wait3A_40 = tpu.memref_slice %arg2[%add3A_14] : memref<608256xf32, #tpu.memory_space<hbm>> -> memref<2112xf32, #tpu.memory_space<hbm>>
      tpu.wait_dma2 semaphore(%run_scoped3A : memref<!tpu.dma_semaphore, #tpu.memory_space<semaphore_mem>>) src(%dma_wait3A_40 : memref<2112xf32, #tpu.memory_space<hbm>>) dst(%dma_wait3A_39 : memref<2112xf32, #tpu.memory_space<vmem>>)
      tpu.yield
    }) : () -> ()
    %add3A_15 = arith.constant 405504 : i32
    %add3A_16 = arith.addi %add3A_15, %mul3A_2 : i32
    "tpu.region"() ({
      %run_scoped3A = tpu.sem_alloc : memref<!tpu.dma_semaphore, #tpu.memory_space<semaphore_mem>>
      %dma_start3A = arith.constant 12672 : i32
      %dma_start3A_31 = tpu.memref_slice %arg4[%dma_start3A] : memref<19008xf32, #tpu.memory_space<vmem>> -> memref<2112xf32, #tpu.memory_space<vmem>>
      %dma_start3A_32 = tpu.memref_slice %arg2[%add3A_16] : memref<608256xf32, #tpu.memory_space<hbm>> -> memref<2112xf32, #tpu.memory_space<hbm>>
      %dma_start3A_33 = arith.constant 12672 : i32
      %dma_start3A_34 = tpu.memref_slice %arg4[%dma_start3A_33] : memref<19008xf32, #tpu.memory_space<vmem>> -> memref<2112xf32, #tpu.memory_space<vmem>>
      %dma_start3A_35 = tpu.memref_slice %arg2[%add3A_16] : memref<608256xf32, #tpu.memory_space<hbm>> -> memref<2112xf32, #tpu.memory_space<hbm>>
      tpu.enqueue_dma source(%dma_start3A_35 : memref<2112xf32, #tpu.memory_space<hbm>>) target(%dma_start3A_34 : memref<2112xf32, #tpu.memory_space<vmem>>) target_semaphore(%run_scoped3A : memref<!tpu.dma_semaphore, #tpu.memory_space<semaphore_mem>>)
      %dma_wait3A = arith.constant 12672 : i32
      %dma_wait3A_36 = tpu.memref_slice %arg4[%dma_wait3A] : memref<19008xf32, #tpu.memory_space<vmem>> -> memref<2112xf32, #tpu.memory_space<vmem>>
      %dma_wait3A_37 = tpu.memref_slice %arg2[%add3A_16] : memref<608256xf32, #tpu.memory_space<hbm>> -> memref<2112xf32, #tpu.memory_space<hbm>>
      %dma_wait3A_38 = arith.constant 12672 : i32
      %dma_wait3A_39 = tpu.memref_slice %arg4[%dma_wait3A_38] : memref<19008xf32, #tpu.memory_space<vmem>> -> memref<2112xf32, #tpu.memory_space<vmem>>
      %dma_wait3A_40 = tpu.memref_slice %arg2[%add3A_16] : memref<608256xf32, #tpu.memory_space<hbm>> -> memref<2112xf32, #tpu.memory_space<hbm>>
      tpu.wait_dma2 semaphore(%run_scoped3A : memref<!tpu.dma_semaphore, #tpu.memory_space<semaphore_mem>>) src(%dma_wait3A_40 : memref<2112xf32, #tpu.memory_space<hbm>>) dst(%dma_wait3A_39 : memref<2112xf32, #tpu.memory_space<vmem>>)
      tpu.yield
    }) : () -> ()
    %add3A_17 = arith.constant 473088 : i32
    %add3A_18 = arith.addi %add3A_17, %mul3A_2 : i32
    "tpu.region"() ({
      %run_scoped3A = tpu.sem_alloc : memref<!tpu.dma_semaphore, #tpu.memory_space<semaphore_mem>>
      %dma_start3A = arith.constant 14784 : i32
      %dma_start3A_31 = tpu.memref_slice %arg4[%dma_start3A] : memref<19008xf32, #tpu.memory_space<vmem>> -> memref<2112xf32, #tpu.memory_space<vmem>>
      %dma_start3A_32 = tpu.memref_slice %arg2[%add3A_18] : memref<608256xf32, #tpu.memory_space<hbm>> -> memref<2112xf32, #tpu.memory_space<hbm>>
      %dma_start3A_33 = arith.constant 14784 : i32
      %dma_start3A_34 = tpu.memref_slice %arg4[%dma_start3A_33] : memref<19008xf32, #tpu.memory_space<vmem>> -> memref<2112xf32, #tpu.memory_space<vmem>>
      %dma_start3A_35 = tpu.memref_slice %arg2[%add3A_18] : memref<608256xf32, #tpu.memory_space<hbm>> -> memref<2112xf32, #tpu.memory_space<hbm>>
      tpu.enqueue_dma source(%dma_start3A_35 : memref<2112xf32, #tpu.memory_space<hbm>>) target(%dma_start3A_34 : memref<2112xf32, #tpu.memory_space<vmem>>) target_semaphore(%run_scoped3A : memref<!tpu.dma_semaphore, #tpu.memory_space<semaphore_mem>>)
      %dma_wait3A = arith.constant 14784 : i32
      %dma_wait3A_36 = tpu.memref_slice %arg4[%dma_wait3A] : memref<19008xf32, #tpu.memory_space<vmem>> -> memref<2112xf32, #tpu.memory_space<vmem>>
      %dma_wait3A_37 = tpu.memref_slice %arg2[%add3A_18] : memref<608256xf32, #tpu.memory_space<hbm>> -> memref<2112xf32, #tpu.memory_space<hbm>>
      %dma_wait3A_38 = arith.constant 14784 : i32
      %dma_wait3A_39 = tpu.memref_slice %arg4[%dma_wait3A_38] : memref<19008xf32, #tpu.memory_space<vmem>> -> memref<2112xf32, #tpu.memory_space<vmem>>
      %dma_wait3A_40 = tpu.memref_slice %arg2[%add3A_18] : memref<608256xf32, #tpu.memory_space<hbm>> -> memref<2112xf32, #tpu.memory_space<hbm>>
      tpu.wait_dma2 semaphore(%run_scoped3A : memref<!tpu.dma_semaphore, #tpu.memory_space<semaphore_mem>>) src(%dma_wait3A_40 : memref<2112xf32, #tpu.memory_space<hbm>>) dst(%dma_wait3A_39 : memref<2112xf32, #tpu.memory_space<vmem>>)
      tpu.yield
    }) : () -> ()
    %add3A_19 = arith.constant 540672 : i32
    %add3A_20 = arith.addi %add3A_19, %mul3A_2 : i32
    "tpu.region"() ({
      %run_scoped3A = tpu.sem_alloc : memref<!tpu.dma_semaphore, #tpu.memory_space<semaphore_mem>>
      %dma_start3A = arith.constant 16896 : i32
      %dma_start3A_31 = tpu.memref_slice %arg4[%dma_start3A] : memref<19008xf32, #tpu.memory_space<vmem>> -> memref<2112xf32, #tpu.memory_space<vmem>>
      %dma_start3A_32 = tpu.memref_slice %arg2[%add3A_20] : memref<608256xf32, #tpu.memory_space<hbm>> -> memref<2112xf32, #tpu.memory_space<hbm>>
      %dma_start3A_33 = arith.constant 16896 : i32
      %dma_start3A_34 = tpu.memref_slice %arg4[%dma_start3A_33] : memref<19008xf32, #tpu.memory_space<vmem>> -> memref<2112xf32, #tpu.memory_space<vmem>>
      %dma_start3A_35 = tpu.memref_slice %arg2[%add3A_20] : memref<608256xf32, #tpu.memory_space<hbm>> -> memref<2112xf32, #tpu.memory_space<hbm>>
      tpu.enqueue_dma source(%dma_start3A_35 : memref<2112xf32, #tpu.memory_space<hbm>>) target(%dma_start3A_34 : memref<2112xf32, #tpu.memory_space<vmem>>) target_semaphore(%run_scoped3A : memref<!tpu.dma_semaphore, #tpu.memory_space<semaphore_mem>>)
      %dma_wait3A = arith.constant 16896 : i32
      %dma_wait3A_36 = tpu.memref_slice %arg4[%dma_wait3A] : memref<19008xf32, #tpu.memory_space<vmem>> -> memref<2112xf32, #tpu.memory_space<vmem>>
      %dma_wait3A_37 = tpu.memref_slice %arg2[%add3A_20] : memref<608256xf32, #tpu.memory_space<hbm>> -> memref<2112xf32, #tpu.memory_space<hbm>>
      %dma_wait3A_38 = arith.constant 16896 : i32
      %dma_wait3A_39 = tpu.memref_slice %arg4[%dma_wait3A_38] : memref<19008xf32, #tpu.memory_space<vmem>> -> memref<2112xf32, #tpu.memory_space<vmem>>
      %dma_wait3A_40 = tpu.memref_slice %arg2[%add3A_20] : memref<608256xf32, #tpu.memory_space<hbm>> -> memref<2112xf32, #tpu.memory_space<hbm>>
      tpu.wait_dma2 semaphore(%run_scoped3A : memref<!tpu.dma_semaphore, #tpu.memory_space<semaphore_mem>>) src(%dma_wait3A_40 : memref<2112xf32, #tpu.memory_space<hbm>>) dst(%dma_wait3A_39 : memref<2112xf32, #tpu.memory_space<vmem>>)
      tpu.yield
    }) : () -> ()
    %broadcast_in_dim3A = arith.constant 0.000000e+00 : f32
    %broadcast_in_dim3A_21 = vector.broadcast %broadcast_in_dim3A : f32 to vector<16xf32>
    %swap3A = arith.constant 0 : index
    %swap3A_22 = tpu.vector_load %arg5[%swap3A] {strides = array<i32>} : memref<16xf32, #tpu.memory_space<vmem>>, vector<16xf32>,
    %swap3A_23 = vector.shape_cast %swap3A_22 : vector<16xf32> to vector<16xf32>
    %swap3A_24 = vector.shape_cast %broadcast_in_dim3A_21 : vector<16xf32> to vector<16xf32>
    tpu.vector_store %arg5[%swap3A], %swap3A_24 {strides = array<i32>} : memref<16xf32, #tpu.memory_space<vmem>>, vector<16xf32>,
    %scan3A = arith.constant 0 : i32
    %scan3A_25 = arith.constant 0 : i32
    %scan3A_26 = arith.constant 132 : i32
    %scan3A_27 = arith.addi %scan3A_25, %scan3A_26 : i32
    %scan3A_28 = arith.constant 4 : i32
    %scan3A_29 = scf.for %scan3A_31 = %scan3A_25 to %scan3A_27 step %scan3A_28 iter_args(%scan3A_32 = %scan3A) -> (i32)  : i32 {
      %mul3A_33 = arith.constant 16 : i32
      %mul3A_34 = arith.muli %scan3A_31, %mul3A_33 : i32
      %add3A_35 = arith.constant 0 : i32
      %add3A_36 = arith.addi %add3A_35, %mul3A_34 : i32
      %get3A = arith.index_cast %add3A_36 : i32 to index
      %get3A_37 = tpu.vector_load %arg4[%get3A] {strides = array<i32>} : memref<19008xf32, #tpu.memory_space<vmem>>, vector<16xf32>,
      %get3A_38 = vector.shape_cast %get3A_37 : vector<16xf32> to vector<16xf32>
      %add3A_39 = arith.constant 2112 : i32
      %add3A_40 = arith.addi %add3A_39, %mul3A_34 : i32
      %get3A_41 = arith.index_cast %add3A_40 : i32 to index
      %get3A_42 = tpu.vector_load %arg4[%get3A_41] {strides = array<i32>} : memref<19008xf32, #tpu.memory_space<vmem>>, vector<16xf32>,
      %get3A_43 = vector.shape_cast %get3A_42 : vector<16xf32> to vector<16xf32>
      %add3A_44 = arith.constant 4224 : i32
      %add3A_45 = arith.addi %add3A_44, %mul3A_34 : i32
      %get3A_46 = arith.index_cast %add3A_45 : i32 to index
      %get3A_47 = tpu.vector_load %arg4[%get3A_46] {strides = array<i32>} : memref<19008xf32, #tpu.memory_space<vmem>>, vector<16xf32>,
      %get3A_48 = vector.shape_cast %get3A_47 : vector<16xf32> to vector<16xf32>
      %add3A_49 = arith.constant 6336 : i32
      %add3A_50 = arith.addi %add3A_49, %mul3A_34 : i32
      %get3A_51 = arith.index_cast %add3A_50 : i32 to index
      %get3A_52 = tpu.vector_load %arg4[%get3A_51] {strides = array<i32>} : memref<19008xf32, #tpu.memory_space<vmem>>, vector<16xf32>,
      %get3A_53 = vector.shape_cast %get3A_52 : vector<16xf32> to vector<16xf32>
      %add3A_54 = arith.constant 8448 : i32
      %add3A_55 = arith.addi %add3A_54, %mul3A_34 : i32
      %get3A_56 = arith.index_cast %add3A_55 : i32 to index
      %get3A_57 = tpu.vector_load %arg4[%get3A_56] {strides = array<i32>} : memref<19008xf32, #tpu.memory_space<vmem>>, vector<16xf32>,
      %get3A_58 = vector.shape_cast %get3A_57 : vector<16xf32> to vector<16xf32>
      %add3A_59 = arith.constant 10560 : i32
      %add3A_60 = arith.addi %add3A_59, %mul3A_34 : i32
      %get3A_61 = arith.index_cast %add3A_60 : i32 to index
      %get3A_62 = tpu.vector_load %arg4[%get3A_61] {strides = array<i32>} : memref<19008xf32, #tpu.memory_space<vmem>>, vector<16xf32>,
      %get3A_63 = vector.shape_cast %get3A_62 : vector<16xf32> to vector<16xf32>
      %add3A_64 = arith.constant 12672 : i32
      %add3A_65 = arith.addi %add3A_64, %mul3A_34 : i32
      %get3A_66 = arith.index_cast %add3A_65 : i32 to index
      %get3A_67 = tpu.vector_load %arg4[%get3A_66] {strides = array<i32>} : memref<19008xf32, #tpu.memory_space<vmem>>, vector<16xf32>,
      %get3A_68 = vector.shape_cast %get3A_67 : vector<16xf32> to vector<16xf32>
      %add3A_69 = arith.constant 14784 : i32
      %add3A_70 = arith.addi %add3A_69, %mul3A_34 : i32
      %get3A_71 = arith.index_cast %add3A_70 : i32 to index
      %get3A_72 = tpu.vector_load %arg4[%get3A_71] {strides = array<i32>} : memref<19008xf32, #tpu.memory_space<vmem>>, vector<16xf32>,
      %get3A_73 = vector.shape_cast %get3A_72 : vector<16xf32> to vector<16xf32>
      %add3A_74 = arith.constant 16896 : i32
      %add3A_75 = arith.addi %add3A_74, %mul3A_34 : i32
      %get3A_76 = arith.index_cast %add3A_75 : i32 to index
      %get3A_77 = tpu.vector_load %arg4[%get3A_76] {strides = array<i32>} : memref<19008xf32, #tpu.memory_space<vmem>>, vector<16xf32>,
      %get3A_78 = vector.shape_cast %get3A_77 : vector<16xf32> to vector<16xf32>
      %get3A_79 = arith.constant 0 : index
      %get3A_80 = tpu.vector_load %arg5[%get3A_79] {strides = array<i32>} : memref<16xf32, #tpu.memory_space<vmem>>, vector<16xf32>,
      %get3A_81 = vector.shape_cast %get3A_80 : vector<16xf32> to vector<16xf32>
      %max3A = arith.maximumf %get3A_38, %get3A_58 : vector<16xf32>
      %max3A_82 = arith.maximumf %get3A_43, %get3A_63 : vector<16xf32>
      %min3A = arith.minimumf %get3A_48, %get3A_68 : vector<16xf32>
      %min3A_83 = arith.minimumf %get3A_53, %get3A_73 : vector<16xf32>
      %sub3A = arith.subf %min3A, %max3A : vector<16xf32>
      %max3A_84 = arith.constant 0.000000e+00 : f32
      %max3A_85 = vector.broadcast %max3A_84 : f32 to vector<16xf32>
      %max3A_86 = arith.maximumf %sub3A, %max3A_85 : vector<16xf32>
      %sub3A_87 = arith.subf %min3A_83, %max3A_82 : vector<16xf32>
      %max3A_88 = arith.constant 0.000000e+00 : f32
      %max3A_89 = vector.broadcast %max3A_88 : f32 to vector<16xf32>
      %max3A_90 = arith.maximumf %sub3A_87, %max3A_89 : vector<16xf32>
      %mul3A_91 = arith.mulf %max3A_86, %max3A_90 : vector<16xf32>
      %sub3A_92 = arith.subf %get3A_48, %get3A_38 : vector<16xf32>
      %sub3A_93 = arith.subf %get3A_53, %get3A_43 : vector<16xf32>
      %mul3A_94 = arith.mulf %sub3A_92, %sub3A_93 : vector<16xf32>
      %sub3A_95 = arith.subf %get3A_68, %get3A_58 : vector<16xf32>
      %sub3A_96 = arith.subf %get3A_73, %get3A_63 : vector<16xf32>
      %mul3A_97 = arith.mulf %sub3A_95, %sub3A_96 : vector<16xf32>
      %add3A_98 = arith.addf %mul3A_94, %mul3A_97 : vector<16xf32>
      %sub3A_99 = arith.subf %add3A_98, %mul3A_91 : vector<16xf32>
      %add3A_100 = arith.constant 1.000000e-07 : f32
      %add3A_101 = vector.broadcast %add3A_100 : f32 to vector<16xf32>
      %add3A_102 = arith.addf %sub3A_99, %add3A_101 : vector<16xf32>
      %div3A = arith.divf %mul3A_91, %add3A_102 : vector<16xf32>
      %add3A_103 = arith.addf %get3A_48, %get3A_38 : vector<16xf32>
      %add3A_104 = arith.addf %get3A_68, %get3A_58 : vector<16xf32>
      %sub3A_105 = arith.subf %add3A_103, %add3A_104 : vector<16xf32>
      %add3A_106 = arith.addf %get3A_53, %get3A_43 : vector<16xf32>
      %add3A_107 = arith.addf %get3A_73, %get3A_63 : vector<16xf32>
      %sub3A_108 = arith.subf %add3A_106, %add3A_107 : vector<16xf32>
      %mul3A_109 = arith.mulf %sub3A_105, %sub3A_105 : vector<16xf32>
      %mul3A_110 = arith.mulf %sub3A_108, %sub3A_108 : vector<16xf32>
      %add3A_111 = arith.addf %mul3A_109, %mul3A_110 : vector<16xf32>
      %max3A_112 = arith.maximumf %get3A_48, %get3A_68 : vector<16xf32>
      %min3A_113 = arith.minimumf %get3A_38, %get3A_58 : vector<16xf32>
      %sub3A_114 = arith.subf %max3A_112, %min3A_113 : vector<16xf32>
      %max3A_115 = arith.maximumf %get3A_53, %get3A_73 : vector<16xf32>
      %min3A_116 = arith.minimumf %get3A_43, %get3A_63 : vector<16xf32>
      %sub3A_117 = arith.subf %max3A_115, %min3A_116 : vector<16xf32>
      %mul3A_118 = arith.mulf %sub3A_114, %sub3A_114 : vector<16xf32>
      %mul3A_119 = arith.mulf %sub3A_117, %sub3A_117 : vector<16xf32>
      %add3A_120 = arith.addf %mul3A_118, %mul3A_119 : vector<16xf32>
      %mul3A_121 = arith.constant 4.000000e+00 : f32
      %mul3A_122 = vector.broadcast %mul3A_121 : f32 to vector<16xf32>
      %mul3A_123 = arith.mulf %mul3A_122, %add3A_120 : vector<16xf32>
      %add3A_124 = arith.constant 4.000000e-07 : f32
      %add3A_125 = vector.broadcast %add3A_124 : f32 to vector<16xf32>
      %add3A_126 = arith.addf %mul3A_123, %add3A_125 : vector<16xf32>
      %div3A_127 = arith.divf %add3A_111, %add3A_126 : vector<16xf32>
      %sub3A_128 = arith.subf %div3A, %div3A_127 : vector<16xf32>
      %sub3A_129 = arith.subf %get3A_48, %get3A_38 : vector<16xf32>
      %sub3A_130 = arith.subf %get3A_53, %get3A_43 : vector<16xf32>
      %add3A_131 = arith.constant 1.000000e-07 : f32
      %add3A_132 = vector.broadcast %add3A_131 : f32 to vector<16xf32>
      %add3A_133 = arith.addf %sub3A_130, %add3A_132 : vector<16xf32>
      %div3A_134 = arith.divf %sub3A_129, %add3A_133 : vector<16xf32>
      %min3A_135 = arith.constant 1.000000e+00 : f32
      %min3A_136 = vector.broadcast %min3A_135 : f32 to vector<16xf32>
      %min3A_137 = arith.minimumf %div3A_134, %min3A_136 : vector<16xf32>
      %max3A_138 = arith.constant 1.000000e+00 : f32
      %max3A_139 = vector.broadcast %max3A_138 : f32 to vector<16xf32>
      %max3A_140 = arith.maximumf %div3A_134, %max3A_139 : vector<16xf32>
      %div3A_141 = arith.constant 1.000000e+00 : f32
      %div3A_142 = vector.broadcast %div3A_141 : f32 to vector<16xf32>
      %div3A_143 = arith.divf %div3A_142, %max3A_140 : vector<16xf32>
      %mul3A_144 = arith.mulf %min3A_137, %min3A_137 : vector<16xf32>
      %mul3A_145 = arith.mulf %div3A_143, %div3A_143 : vector<16xf32>
      %mul3A_146 = arith.constant 0.00293276203 : f32
      %mul3A_147 = vector.broadcast %mul3A_146 : f32 to vector<16xf32>
      %mul3A_148 = arith.mulf %mul3A_147, %mul3A_144 : vector<16xf32>
      %add3A_149 = arith.constant -0.0164131913 : f32
      %add3A_150 = vector.broadcast %add3A_149 : f32 to vector<16xf32>
      %add3A_151 = arith.addf %mul3A_148, %add3A_150 : vector<16xf32>
      %mul3A_152 = arith.constant 0.00293276203 : f32
      %mul3A_153 = vector.broadcast %mul3A_152 : f32 to vector<16xf32>
      %mul3A_154 = arith.mulf %mul3A_153, %mul3A_145 : vector<16xf32>
      %add3A_155 = arith.constant -0.0164131913 : f32
      %add3A_156 = vector.broadcast %add3A_155 : f32 to vector<16xf32>
      %add3A_157 = arith.addf %mul3A_154, %add3A_156 : vector<16xf32>
      %mul3A_158 = arith.mulf %add3A_151, %mul3A_144 : vector<16xf32>
      %add3A_159 = arith.constant 0.0432782434 : f32
      %add3A_160 = vector.broadcast %add3A_159 : f32 to vector<16xf32>
      %add3A_161 = arith.addf %mul3A_158, %add3A_160 : vector<16xf32>
      %mul3A_162 = arith.mulf %add3A_157, %mul3A_145 : vector<16xf32>
      %add3A_163 = arith.constant 0.0432782434 : f32
      %add3A_164 = vector.broadcast %add3A_163 : f32 to vector<16xf32>
      %add3A_165 = arith.addf %mul3A_162, %add3A_164 : vector<16xf32>
      %mul3A_166 = arith.mulf %add3A_161, %mul3A_144 : vector<16xf32>
      %add3A_167 = arith.constant -0.0755690038 : f32
      %add3A_168 = vector.broadcast %add3A_167 : f32 to vector<16xf32>
      %add3A_169 = arith.addf %mul3A_166, %add3A_168 : vector<16xf32>
      %mul3A_170 = arith.mulf %add3A_165, %mul3A_145 : vector<16xf32>
      %add3A_171 = arith.constant -0.0755690038 : f32
      %add3A_172 = vector.broadcast %add3A_171 : f32 to vector<16xf32>
      %add3A_173 = arith.addf %mul3A_170, %add3A_172 : vector<16xf32>
      %mul3A_174 = arith.mulf %add3A_169, %mul3A_144 : vector<16xf32>
      %add3A_175 = arith.constant 0.106674872 : f32
      %add3A_176 = vector.broadcast %add3A_175 : f32 to vector<16xf32>
      %add3A_177 = arith.addf %mul3A_174, %add3A_176 : vector<16xf32>
      %mul3A_178 = arith.mulf %add3A_173, %mul3A_145 : vector<16xf32>
      %add3A_179 = arith.constant 0.106674872 : f32
      %add3A_180 = vector.broadcast %add3A_179 : f32 to vector<16xf32>
      %add3A_181 = arith.addf %mul3A_178, %add3A_180 : vector<16xf32>
      %mul3A_182 = arith.mulf %add3A_177, %mul3A_144 : vector<16xf32>
      %add3A_183 = arith.constant -0.142111063 : f32
      %add3A_184 = vector.broadcast %add3A_183 : f32 to vector<16xf32>
      %add3A_185 = arith.addf %mul3A_182, %add3A_184 : vector<16xf32>
      %mul3A_186 = arith.mulf %add3A_181, %mul3A_145 : vector<16xf32>
      %add3A_187 = arith.constant -0.142111063 : f32
      %add3A_188 = vector.broadcast %add3A_187 : f32 to vector<16xf32>
      %add3A_189 = arith.addf %mul3A_186, %add3A_188 : vector<16xf32>
      %mul3A_190 = arith.mulf %add3A_185, %mul3A_144 : vector<16xf32>
      %add3A_191 = arith.constant 0.199936941 : f32
      %add3A_192 = vector.broadcast %add3A_191 : f32 to vector<16xf32>
      %add3A_193 = arith.addf %mul3A_190, %add3A_192 : vector<16xf32>
      %mul3A_194 = arith.mulf %add3A_189, %mul3A_145 : vector<16xf32>
      %add3A_195 = arith.constant 0.199936941 : f32
      %add3A_196 = vector.broadcast %add3A_195 : f32 to vector<16xf32>
      %add3A_197 = arith.addf %mul3A_194, %add3A_196 : vector<16xf32>
      %mul3A_198 = arith.mulf %add3A_193, %mul3A_144 : vector<16xf32>
      %add3A_199 = arith.constant -0.333331376 : f32
      %add3A_200 = vector.broadcast %add3A_199 : f32 to vector<16xf32>
      %add3A_201 = arith.addf %mul3A_198, %add3A_200 : vector<16xf32>
      %mul3A_202 = arith.mulf %add3A_197, %mul3A_145 : vector<16xf32>
      %add3A_203 = arith.constant -0.333331376 : f32
      %add3A_204 = vector.broadcast %add3A_203 : f32 to vector<16xf32>
      %add3A_205 = arith.addf %mul3A_202, %add3A_204 : vector<16xf32>
      %mul3A_206 = arith.mulf %add3A_201, %mul3A_144 : vector<16xf32>
      %add3A_207 = arith.constant 1.000000e+00 : f32
      %add3A_208 = vector.broadcast %add3A_207 : f32 to vector<16xf32>
      %add3A_209 = arith.addf %mul3A_206, %add3A_208 : vector<16xf32>
      %mul3A_210 = arith.mulf %add3A_205, %mul3A_145 : vector<16xf32>
      %add3A_211 = arith.constant 1.000000e+00 : f32
      %add3A_212 = vector.broadcast %add3A_211 : f32 to vector<16xf32>
      %add3A_213 = arith.addf %mul3A_210, %add3A_212 : vector<16xf32>
      %mul3A_214 = arith.mulf %min3A_137, %add3A_209 : vector<16xf32>
      %mul3A_215 = arith.mulf %div3A_143, %add3A_213 : vector<16xf32>
      %sub3A_216 = arith.constant 1.57079637 : f32
      %sub3A_217 = vector.broadcast %sub3A_216 : f32 to vector<16xf32>
      %sub3A_218 = arith.subf %sub3A_217, %mul3A_215 : vector<16xf32>
      %le3A = arith.constant 1.000000e+00 : f32
      %le3A_219 = vector.broadcast %le3A : f32 to vector<16xf32>
      %le3A_220 = arith.cmpf ole, %div3A_134, %le3A_219 : vector<16xf32>
      %select_n3A = arith.select %le3A_220, %mul3A_214, %sub3A_218 : vector<16xi1>, vector<16xf32>
      %sub3A_221 = arith.subf %get3A_68, %get3A_58 : vector<16xf32>
      %sub3A_222 = arith.subf %get3A_73, %get3A_63 : vector<16xf32>
      %add3A_223 = arith.constant 1.000000e-07 : f32
      %add3A_224 = vector.broadcast %add3A_223 : f32 to vector<16xf32>
      %add3A_225 = arith.addf %sub3A_222, %add3A_224 : vector<16xf32>
      %div3A_226 = arith.divf %sub3A_221, %add3A_225 : vector<16xf32>
      %min3A_227 = arith.constant 1.000000e+00 : f32
      %min3A_228 = vector.broadcast %min3A_227 : f32 to vector<16xf32>
      %min3A_229 = arith.minimumf %div3A_226, %min3A_228 : vector<16xf32>
      %max3A_230 = arith.constant 1.000000e+00 : f32
      %max3A_231 = vector.broadcast %max3A_230 : f32 to vector<16xf32>
      %max3A_232 = arith.maximumf %div3A_226, %max3A_231 : vector<16xf32>
      %div3A_233 = arith.constant 1.000000e+00 : f32
      %div3A_234 = vector.broadcast %div3A_233 : f32 to vector<16xf32>
      %div3A_235 = arith.divf %div3A_234, %max3A_232 : vector<16xf32>
      %mul3A_236 = arith.mulf %min3A_229, %min3A_229 : vector<16xf32>
      %mul3A_237 = arith.mulf %div3A_235, %div3A_235 : vector<16xf32>
      %mul3A_238 = arith.constant 0.00293276203 : f32
      %mul3A_239 = vector.broadcast %mul3A_238 : f32 to vector<16xf32>
      %mul3A_240 = arith.mulf %mul3A_239, %mul3A_236 : vector<16xf32>
      %add3A_241 = arith.constant -0.0164131913 : f32
      %add3A_242 = vector.broadcast %add3A_241 : f32 to vector<16xf32>
      %add3A_243 = arith.addf %mul3A_240, %add3A_242 : vector<16xf32>
      %mul3A_244 = arith.constant 0.00293276203 : f32
      %mul3A_245 = vector.broadcast %mul3A_244 : f32 to vector<16xf32>
      %mul3A_246 = arith.mulf %mul3A_245, %mul3A_237 : vector<16xf32>
      %add3A_247 = arith.constant -0.0164131913 : f32
      %add3A_248 = vector.broadcast %add3A_247 : f32 to vector<16xf32>
      %add3A_249 = arith.addf %mul3A_246, %add3A_248 : vector<16xf32>
      %mul3A_250 = arith.mulf %add3A_243, %mul3A_236 : vector<16xf32>
      %add3A_251 = arith.constant 0.0432782434 : f32
      %add3A_252 = vector.broadcast %add3A_251 : f32 to vector<16xf32>
      %add3A_253 = arith.addf %mul3A_250, %add3A_252 : vector<16xf32>
      %mul3A_254 = arith.mulf %add3A_249, %mul3A_237 : vector<16xf32>
      %add3A_255 = arith.constant 0.0432782434 : f32
      %add3A_256 = vector.broadcast %add3A_255 : f32 to vector<16xf32>
      %add3A_257 = arith.addf %mul3A_254, %add3A_256 : vector<16xf32>
      %mul3A_258 = arith.mulf %add3A_253, %mul3A_236 : vector<16xf32>
      %add3A_259 = arith.constant -0.0755690038 : f32
      %add3A_260 = vector.broadcast %add3A_259 : f32 to vector<16xf32>
      %add3A_261 = arith.addf %mul3A_258, %add3A_260 : vector<16xf32>
      %mul3A_262 = arith.mulf %add3A_257, %mul3A_237 : vector<16xf32>
      %add3A_263 = arith.constant -0.0755690038 : f32
      %add3A_264 = vector.broadcast %add3A_263 : f32 to vector<16xf32>
      %add3A_265 = arith.addf %mul3A_262, %add3A_264 : vector<16xf32>
      %mul3A_266 = arith.mulf %add3A_261, %mul3A_236 : vector<16xf32>
      %add3A_267 = arith.constant 0.106674872 : f32
      %add3A_268 = vector.broadcast %add3A_267 : f32 to vector<16xf32>
      %add3A_269 = arith.addf %mul3A_266, %add3A_268 : vector<16xf32>
      %mul3A_270 = arith.mulf %add3A_265, %mul3A_237 : vector<16xf32>
      %add3A_271 = arith.constant 0.106674872 : f32
      %add3A_272 = vector.broadcast %add3A_271 : f32 to vector<16xf32>
      %add3A_273 = arith.addf %mul3A_270, %add3A_272 : vector<16xf32>
      %mul3A_274 = arith.mulf %add3A_269, %mul3A_236 : vector<16xf32>
      %add3A_275 = arith.constant -0.142111063 : f32
      %add3A_276 = vector.broadcast %add3A_275 : f32 to vector<16xf32>
      %add3A_277 = arith.addf %mul3A_274, %add3A_276 : vector<16xf32>
      %mul3A_278 = arith.mulf %add3A_273, %mul3A_237 : vector<16xf32>
      %add3A_279 = arith.constant -0.142111063 : f32
      %add3A_280 = vector.broadcast %add3A_279 : f32 to vector<16xf32>
      %add3A_281 = arith.addf %mul3A_278, %add3A_280 : vector<16xf32>
      %mul3A_282 = arith.mulf %add3A_277, %mul3A_236 : vector<16xf32>
      %add3A_283 = arith.constant 0.199936941 : f32
      %add3A_284 = vector.broadcast %add3A_283 : f32 to vector<16xf32>
      %add3A_285 = arith.addf %mul3A_282, %add3A_284 : vector<16xf32>
      %mul3A_286 = arith.mulf %add3A_281, %mul3A_237 : vector<16xf32>
      %add3A_287 = arith.constant 0.199936941 : f32
      %add3A_288 = vector.broadcast %add3A_287 : f32 to vector<16xf32>
      %add3A_289 = arith.addf %mul3A_286, %add3A_288 : vector<16xf32>
      %mul3A_290 = arith.mulf %add3A_285, %mul3A_236 : vector<16xf32>
      %add3A_291 = arith.constant -0.333331376 : f32
      %add3A_292 = vector.broadcast %add3A_291 : f32 to vector<16xf32>
      %add3A_293 = arith.addf %mul3A_290, %add3A_292 : vector<16xf32>
      %mul3A_294 = arith.mulf %add3A_289, %mul3A_237 : vector<16xf32>
      %add3A_295 = arith.constant -0.333331376 : f32
      %add3A_296 = vector.broadcast %add3A_295 : f32 to vector<16xf32>
      %add3A_297 = arith.addf %mul3A_294, %add3A_296 : vector<16xf32>
      %mul3A_298 = arith.mulf %add3A_293, %mul3A_236 : vector<16xf32>
      %add3A_299 = arith.constant 1.000000e+00 : f32
      %add3A_300 = vector.broadcast %add3A_299 : f32 to vector<16xf32>
      %add3A_301 = arith.addf %mul3A_298, %add3A_300 : vector<16xf32>
      %mul3A_302 = arith.mulf %add3A_297, %mul3A_237 : vector<16xf32>
      %add3A_303 = arith.constant 1.000000e+00 : f32
      %add3A_304 = vector.broadcast %add3A_303 : f32 to vector<16xf32>
      %add3A_305 = arith.addf %mul3A_302, %add3A_304 : vector<16xf32>
      %mul3A_306 = arith.mulf %min3A_229, %add3A_301 : vector<16xf32>
      %mul3A_307 = arith.mulf %div3A_235, %add3A_305 : vector<16xf32>
      %sub3A_308 = arith.constant 1.57079637 : f32
      %sub3A_309 = vector.broadcast %sub3A_308 : f32 to vector<16xf32>
      %sub3A_310 = arith.subf %sub3A_309, %mul3A_307 : vector<16xf32>
      %le3A_311 = arith.constant 1.000000e+00 : f32
      %le3A_312 = vector.broadcast %le3A_311 : f32 to vector<16xf32>
      %le3A_313 = arith.cmpf ole, %div3A_226, %le3A_312 : vector<16xf32>
      %select_n3A_314 = arith.select %le3A_313, %mul3A_306, %sub3A_310 : vector<16xi1>, vector<16xf32>
      %sub3A_315 = arith.subf %select_n3A, %select_n3A_314 : vector<16xf32>
      %mul3A_316 = arith.constant 0.405284733 : f32
      %mul3A_317 = vector.broadcast %mul3A_316 : f32 to vector<16xf32>
      %mul3A_318 = arith.mulf %mul3A_317, %sub3A_315 : vector<16xf32>
      %mul3A_319 = arith.mulf %mul3A_318, %sub3A_315 : vector<16xf32>
      %sub3A_320 = arith.subf %mul3A_319, %div3A : vector<16xf32>
      %add3A_321 = arith.constant 1.000000e+00 : f32
      %add3A_322 = vector.broadcast %add3A_321 : f32 to vector<16xf32>
      %add3A_323 = arith.addf %sub3A_320, %add3A_322 : vector<16xf32>
      %add3A_324 = arith.constant 1.000000e-07 : f32
      %add3A_325 = vector.broadcast %add3A_324 : f32 to vector<16xf32>
      %add3A_326 = arith.addf %add3A_323, %add3A_325 : vector<16xf32>
      %div3A_327 = arith.divf %mul3A_319, %add3A_326 : vector<16xf32>
      %mul3A_328 = arith.mulf %div3A_327, %mul3A_319 : vector<16xf32>
      %sub3A_329 = arith.subf %sub3A_128, %mul3A_328 : vector<16xf32>
      %sub3A_330 = arith.constant 1.000000e+00 : f32
      %sub3A_331 = vector.broadcast %sub3A_330 : f32 to vector<16xf32>
      %sub3A_332 = arith.subf %sub3A_331, %sub3A_329 : vector<16xf32>
      %mul3A_333 = arith.mulf %sub3A_332, %get3A_78 : vector<16xf32>
      %add3A_334 = arith.addf %get3A_81, %mul3A_333 : vector<16xf32>
      %swap3A_335 = arith.constant 0 : index
      %swap3A_336 = tpu.vector_load %arg5[%swap3A_335] {strides = array<i32>} : memref<16xf32, #tpu.memory_space<vmem>>, vector<16xf32>,
      %swap3A_337 = vector.shape_cast %swap3A_336 : vector<16xf32> to vector<16xf32>
      %swap3A_338 = vector.shape_cast %add3A_334 : vector<16xf32> to vector<16xf32>
      tpu.vector_store %arg5[%swap3A_335], %swap3A_338 {strides = array<i32>} : memref<16xf32, #tpu.memory_space<vmem>>, vector<16xf32>,
      %scan3A_339 = arith.constant 0 : i32
      %scan3A_340 = arith.constant 1 : i32
      %scan3A_341 = arith.addi %scan3A_31, %scan3A_340 : i32
      %mul3A_342 = arith.constant 16 : i32
      %mul3A_343 = arith.muli %scan3A_341, %mul3A_342 : i32
      %add3A_344 = arith.constant 0 : i32
      %add3A_345 = arith.addi %add3A_344, %mul3A_343 : i32
      %get3A_346 = arith.index_cast %add3A_345 : i32 to index
      %get3A_347 = tpu.vector_load %arg4[%get3A_346] {strides = array<i32>} : memref<19008xf32, #tpu.memory_space<vmem>>, vector<16xf32>,
      %get3A_348 = vector.shape_cast %get3A_347 : vector<16xf32> to vector<16xf32>
      %add3A_349 = arith.constant 2112 : i32
      %add3A_350 = arith.addi %add3A_349, %mul3A_343 : i32
      %get3A_351 = arith.index_cast %add3A_350 : i32 to index
      %get3A_352 = tpu.vector_load %arg4[%get3A_351] {strides = array<i32>} : memref<19008xf32, #tpu.memory_space<vmem>>, vector<16xf32>,
      %get3A_353 = vector.shape_cast %get3A_352 : vector<16xf32> to vector<16xf32>
      %add3A_354 = arith.constant 4224 : i32
      %add3A_355 = arith.addi %add3A_354, %mul3A_343 : i32
      %get3A_356 = arith.index_cast %add3A_355 : i32 to index
      %get3A_357 = tpu.vector_load %arg4[%get3A_356] {strides = array<i32>} : memref<19008xf32, #tpu.memory_space<vmem>>, vector<16xf32>,
      %get3A_358 = vector.shape_cast %get3A_357 : vector<16xf32> to vector<16xf32>
      %add3A_359 = arith.constant 6336 : i32
      %add3A_360 = arith.addi %add3A_359, %mul3A_343 : i32
      %get3A_361 = arith.index_cast %add3A_360 : i32 to index
      %get3A_362 = tpu.vector_load %arg4[%get3A_361] {strides = array<i32>} : memref<19008xf32, #tpu.memory_space<vmem>>, vector<16xf32>,
      %get3A_363 = vector.shape_cast %get3A_362 : vector<16xf32> to vector<16xf32>
      %add3A_364 = arith.constant 8448 : i32
      %add3A_365 = arith.addi %add3A_364, %mul3A_343 : i32
      %get3A_366 = arith.index_cast %add3A_365 : i32 to index
      %get3A_367 = tpu.vector_load %arg4[%get3A_366] {strides = array<i32>} : memref<19008xf32, #tpu.memory_space<vmem>>, vector<16xf32>,
      %get3A_368 = vector.shape_cast %get3A_367 : vector<16xf32> to vector<16xf32>
      %add3A_369 = arith.constant 10560 : i32
      %add3A_370 = arith.addi %add3A_369, %mul3A_343 : i32
      %get3A_371 = arith.index_cast %add3A_370 : i32 to index
      %get3A_372 = tpu.vector_load %arg4[%get3A_371] {strides = array<i32>} : memref<19008xf32, #tpu.memory_space<vmem>>, vector<16xf32>,
      %get3A_373 = vector.shape_cast %get3A_372 : vector<16xf32> to vector<16xf32>
      %add3A_374 = arith.constant 12672 : i32
      %add3A_375 = arith.addi %add3A_374, %mul3A_343 : i32
      %get3A_376 = arith.index_cast %add3A_375 : i32 to index
      %get3A_377 = tpu.vector_load %arg4[%get3A_376] {strides = array<i32>} : memref<19008xf32, #tpu.memory_space<vmem>>, vector<16xf32>,
      %get3A_378 = vector.shape_cast %get3A_377 : vector<16xf32> to vector<16xf32>
      %add3A_379 = arith.constant 14784 : i32
      %add3A_380 = arith.addi %add3A_379, %mul3A_343 : i32
      %get3A_381 = arith.index_cast %add3A_380 : i32 to index
      %get3A_382 = tpu.vector_load %arg4[%get3A_381] {strides = array<i32>} : memref<19008xf32, #tpu.memory_space<vmem>>, vector<16xf32>,
      %get3A_383 = vector.shape_cast %get3A_382 : vector<16xf32> to vector<16xf32>
      %add3A_384 = arith.constant 16896 : i32
      %add3A_385 = arith.addi %add3A_384, %mul3A_343 : i32
      %get3A_386 = arith.index_cast %add3A_385 : i32 to index
      %get3A_387 = tpu.vector_load %arg4[%get3A_386] {strides = array<i32>} : memref<19008xf32, #tpu.memory_space<vmem>>, vector<16xf32>,
      %get3A_388 = vector.shape_cast %get3A_387 : vector<16xf32> to vector<16xf32>
      %get3A_389 = arith.constant 0 : index
      %get3A_390 = tpu.vector_load %arg5[%get3A_389] {strides = array<i32>} : memref<16xf32, #tpu.memory_space<vmem>>, vector<16xf32>,
      %get3A_391 = vector.shape_cast %get3A_390 : vector<16xf32> to vector<16xf32>
      %max3A_392 = arith.maximumf %get3A_348, %get3A_368 : vector<16xf32>
      %max3A_393 = arith.maximumf %get3A_353, %get3A_373 : vector<16xf32>
      %min3A_394 = arith.minimumf %get3A_358, %get3A_378 : vector<16xf32>
      %min3A_395 = arith.minimumf %get3A_363, %get3A_383 : vector<16xf32>
      %sub3A_396 = arith.subf %min3A_394, %max3A_392 : vector<16xf32>
      %max3A_397 = arith.constant 0.000000e+00 : f32
      %max3A_398 = vector.broadcast %max3A_397 : f32 to vector<16xf32>
      %max3A_399 = arith.maximumf %sub3A_396, %max3A_398 : vector<16xf32>
      %sub3A_400 = arith.subf %min3A_395, %max3A_393 : vector<16xf32>
      %max3A_401 = arith.constant 0.000000e+00 : f32
      %max3A_402 = vector.broadcast %max3A_401 : f32 to vector<16xf32>
      %max3A_403 = arith.maximumf %sub3A_400, %max3A_402 : vector<16xf32>
      %mul3A_404 = arith.mulf %max3A_399, %max3A_403 : vector<16xf32>
      %sub3A_405 = arith.subf %get3A_358, %get3A_348 : vector<16xf32>
      %sub3A_406 = arith.subf %get3A_363, %get3A_353 : vector<16xf32>
      %mul3A_407 = arith.mulf %sub3A_405, %sub3A_406 : vector<16xf32>
      %sub3A_408 = arith.subf %get3A_378, %get3A_368 : vector<16xf32>
      %sub3A_409 = arith.subf %get3A_383, %get3A_373 : vector<16xf32>
      %mul3A_410 = arith.mulf %sub3A_408, %sub3A_409 : vector<16xf32>
      %add3A_411 = arith.addf %mul3A_407, %mul3A_410 : vector<16xf32>
      %sub3A_412 = arith.subf %add3A_411, %mul3A_404 : vector<16xf32>
      %add3A_413 = arith.constant 1.000000e-07 : f32
      %add3A_414 = vector.broadcast %add3A_413 : f32 to vector<16xf32>
      %add3A_415 = arith.addf %sub3A_412, %add3A_414 : vector<16xf32>
      %div3A_416 = arith.divf %mul3A_404, %add3A_415 : vector<16xf32>
      %add3A_417 = arith.addf %get3A_358, %get3A_348 : vector<16xf32>
      %add3A_418 = arith.addf %get3A_378, %get3A_368 : vector<16xf32>
      %sub3A_419 = arith.subf %add3A_417, %add3A_418 : vector<16xf32>
      %add3A_420 = arith.addf %get3A_363, %get3A_353 : vector<16xf32>
      %add3A_421 = arith.addf %get3A_383, %get3A_373 : vector<16xf32>
      %sub3A_422 = arith.subf %add3A_420, %add3A_421 : vector<16xf32>
      %mul3A_423 = arith.mulf %sub3A_419, %sub3A_419 : vector<16xf32>
      %mul3A_424 = arith.mulf %sub3A_422, %sub3A_422 : vector<16xf32>
      %add3A_425 = arith.addf %mul3A_423, %mul3A_424 : vector<16xf32>
      %max3A_426 = arith.maximumf %get3A_358, %get3A_378 : vector<16xf32>
      %min3A_427 = arith.minimumf %get3A_348, %get3A_368 : vector<16xf32>
      %sub3A_428 = arith.subf %max3A_426, %min3A_427 : vector<16xf32>
      %max3A_429 = arith.maximumf %get3A_363, %get3A_383 : vector<16xf32>
      %min3A_430 = arith.minimumf %get3A_353, %get3A_373 : vector<16xf32>
      %sub3A_431 = arith.subf %max3A_429, %min3A_430 : vector<16xf32>
      %mul3A_432 = arith.mulf %sub3A_428, %sub3A_428 : vector<16xf32>
      %mul3A_433 = arith.mulf %sub3A_431, %sub3A_431 : vector<16xf32>
      %add3A_434 = arith.addf %mul3A_432, %mul3A_433 : vector<16xf32>
      %mul3A_435 = arith.constant 4.000000e+00 : f32
      %mul3A_436 = vector.broadcast %mul3A_435 : f32 to vector<16xf32>
      %mul3A_437 = arith.mulf %mul3A_436, %add3A_434 : vector<16xf32>
      %add3A_438 = arith.constant 4.000000e-07 : f32
      %add3A_439 = vector.broadcast %add3A_438 : f32 to vector<16xf32>
      %add3A_440 = arith.addf %mul3A_437, %add3A_439 : vector<16xf32>
      %div3A_441 = arith.divf %add3A_425, %add3A_440 : vector<16xf32>
      %sub3A_442 = arith.subf %div3A_416, %div3A_441 : vector<16xf32>
      %sub3A_443 = arith.subf %get3A_358, %get3A_348 : vector<16xf32>
      %sub3A_444 = arith.subf %get3A_363, %get3A_353 : vector<16xf32>
      %add3A_445 = arith.constant 1.000000e-07 : f32
      %add3A_446 = vector.broadcast %add3A_445 : f32 to vector<16xf32>
      %add3A_447 = arith.addf %sub3A_444, %add3A_446 : vector<16xf32>
      %div3A_448 = arith.divf %sub3A_443, %add3A_447 : vector<16xf32>
      %min3A_449 = arith.constant 1.000000e+00 : f32
      %min3A_450 = vector.broadcast %min3A_449 : f32 to vector<16xf32>
      %min3A_451 = arith.minimumf %div3A_448, %min3A_450 : vector<16xf32>
      %max3A_452 = arith.constant 1.000000e+00 : f32
      %max3A_453 = vector.broadcast %max3A_452 : f32 to vector<16xf32>
      %max3A_454 = arith.maximumf %div3A_448, %max3A_453 : vector<16xf32>
      %div3A_455 = arith.constant 1.000000e+00 : f32
      %div3A_456 = vector.broadcast %div3A_455 : f32 to vector<16xf32>
      %div3A_457 = arith.divf %div3A_456, %max3A_454 : vector<16xf32>
      %mul3A_458 = arith.mulf %min3A_451, %min3A_451 : vector<16xf32>
      %mul3A_459 = arith.mulf %div3A_457, %div3A_457 : vector<16xf32>
      %mul3A_460 = arith.constant 0.00293276203 : f32
      %mul3A_461 = vector.broadcast %mul3A_460 : f32 to vector<16xf32>
      %mul3A_462 = arith.mulf %mul3A_461, %mul3A_458 : vector<16xf32>
      %add3A_463 = arith.constant -0.0164131913 : f32
      %add3A_464 = vector.broadcast %add3A_463 : f32 to vector<16xf32>
      %add3A_465 = arith.addf %mul3A_462, %add3A_464 : vector<16xf32>
      %mul3A_466 = arith.constant 0.00293276203 : f32
      %mul3A_467 = vector.broadcast %mul3A_466 : f32 to vector<16xf32>
      %mul3A_468 = arith.mulf %mul3A_467, %mul3A_459 : vector<16xf32>
      %add3A_469 = arith.constant -0.0164131913 : f32
      %add3A_470 = vector.broadcast %add3A_469 : f32 to vector<16xf32>
      %add3A_471 = arith.addf %mul3A_468, %add3A_470 : vector<16xf32>
      %mul3A_472 = arith.mulf %add3A_465, %mul3A_458 : vector<16xf32>
      %add3A_473 = arith.constant 0.0432782434 : f32
      %add3A_474 = vector.broadcast %add3A_473 : f32 to vector<16xf32>
      %add3A_475 = arith.addf %mul3A_472, %add3A_474 : vector<16xf32>
      %mul3A_476 = arith.mulf %add3A_471, %mul3A_459 : vector<16xf32>
      %add3A_477 = arith.constant 0.0432782434 : f32
      %add3A_478 = vector.broadcast %add3A_477 : f32 to vector<16xf32>
      %add3A_479 = arith.addf %mul3A_476, %add3A_478 : vector<16xf32>
      %mul3A_480 = arith.mulf %add3A_475, %mul3A_458 : vector<16xf32>
      %add3A_481 = arith.constant -0.0755690038 : f32
      %add3A_482 = vector.broadcast %add3A_481 : f32 to vector<16xf32>
      %add3A_483 = arith.addf %mul3A_480, %add3A_482 : vector<16xf32>
      %mul3A_484 = arith.mulf %add3A_479, %mul3A_459 : vector<16xf32>
      %add3A_485 = arith.constant -0.0755690038 : f32
      %add3A_486 = vector.broadcast %add3A_485 : f32 to vector<16xf32>
      %add3A_487 = arith.addf %mul3A_484, %add3A_486 : vector<16xf32>
      %mul3A_488 = arith.mulf %add3A_483, %mul3A_458 : vector<16xf32>
      %add3A_489 = arith.constant 0.106674872 : f32
      %add3A_490 = vector.broadcast %add3A_489 : f32 to vector<16xf32>
      %add3A_491 = arith.addf %mul3A_488, %add3A_490 : vector<16xf32>
      %mul3A_492 = arith.mulf %add3A_487, %mul3A_459 : vector<16xf32>
      %add3A_493 = arith.constant 0.106674872 : f32
      %add3A_494 = vector.broadcast %add3A_493 : f32 to vector<16xf32>
      %add3A_495 = arith.addf %mul3A_492, %add3A_494 : vector<16xf32>
      %mul3A_496 = arith.mulf %add3A_491, %mul3A_458 : vector<16xf32>
      %add3A_497 = arith.constant -0.142111063 : f32
      %add3A_498 = vector.broadcast %add3A_497 : f32 to vector<16xf32>
      %add3A_499 = arith.addf %mul3A_496, %add3A_498 : vector<16xf32>
      %mul3A_500 = arith.mulf %add3A_495, %mul3A_459 : vector<16xf32>
      %add3A_501 = arith.constant -0.142111063 : f32
      %add3A_502 = vector.broadcast %add3A_501 : f32 to vector<16xf32>
      %add3A_503 = arith.addf %mul3A_500, %add3A_502 : vector<16xf32>
      %mul3A_504 = arith.mulf %add3A_499, %mul3A_458 : vector<16xf32>
      %add3A_505 = arith.constant 0.199936941 : f32
      %add3A_506 = vector.broadcast %add3A_505 : f32 to vector<16xf32>
      %add3A_507 = arith.addf %mul3A_504, %add3A_506 : vector<16xf32>
      %mul3A_508 = arith.mulf %add3A_503, %mul3A_459 : vector<16xf32>
      %add3A_509 = arith.constant 0.199936941 : f32
      %add3A_510 = vector.broadcast %add3A_509 : f32 to vector<16xf32>
      %add3A_511 = arith.addf %mul3A_508, %add3A_510 : vector<16xf32>
      %mul3A_512 = arith.mulf %add3A_507, %mul3A_458 : vector<16xf32>
      %add3A_513 = arith.constant -0.333331376 : f32
      %add3A_514 = vector.broadcast %add3A_513 : f32 to vector<16xf32>
      %add3A_515 = arith.addf %mul3A_512, %add3A_514 : vector<16xf32>
      %mul3A_516 = arith.mulf %add3A_511, %mul3A_459 : vector<16xf32>
      %add3A_517 = arith.constant -0.333331376 : f32
      %add3A_518 = vector.broadcast %add3A_517 : f32 to vector<16xf32>
      %add3A_519 = arith.addf %mul3A_516, %add3A_518 : vector<16xf32>
      %mul3A_520 = arith.mulf %add3A_515, %mul3A_458 : vector<16xf32>
      %add3A_521 = arith.constant 1.000000e+00 : f32
      %add3A_522 = vector.broadcast %add3A_521 : f32 to vector<16xf32>
      %add3A_523 = arith.addf %mul3A_520, %add3A_522 : vector<16xf32>
      %mul3A_524 = arith.mulf %add3A_519, %mul3A_459 : vector<16xf32>
      %add3A_525 = arith.constant 1.000000e+00 : f32
      %add3A_526 = vector.broadcast %add3A_525 : f32 to vector<16xf32>
      %add3A_527 = arith.addf %mul3A_524, %add3A_526 : vector<16xf32>
      %mul3A_528 = arith.mulf %min3A_451, %add3A_523 : vector<16xf32>
      %mul3A_529 = arith.mulf %div3A_457, %add3A_527 : vector<16xf32>
      %sub3A_530 = arith.constant 1.57079637 : f32
      %sub3A_531 = vector.broadcast %sub3A_530 : f32 to vector<16xf32>
      %sub3A_532 = arith.subf %sub3A_531, %mul3A_529 : vector<16xf32>
      %le3A_533 = arith.constant 1.000000e+00 : f32
      %le3A_534 = vector.broadcast %le3A_533 : f32 to vector<16xf32>
      %le3A_535 = arith.cmpf ole, %div3A_448, %le3A_534 : vector<16xf32>
      %select_n3A_536 = arith.select %le3A_535, %mul3A_528, %sub3A_532 : vector<16xi1>, vector<16xf32>
      %sub3A_537 = arith.subf %get3A_378, %get3A_368 : vector<16xf32>
      %sub3A_538 = arith.subf %get3A_383, %get3A_373 : vector<16xf32>
      %add3A_539 = arith.constant 1.000000e-07 : f32
      %add3A_540 = vector.broadcast %add3A_539 : f32 to vector<16xf32>
      %add3A_541 = arith.addf %sub3A_538, %add3A_540 : vector<16xf32>
      %div3A_542 = arith.divf %sub3A_537, %add3A_541 : vector<16xf32>
      %min3A_543 = arith.constant 1.000000e+00 : f32
      %min3A_544 = vector.broadcast %min3A_543 : f32 to vector<16xf32>
      %min3A_545 = arith.minimumf %div3A_542, %min3A_544 : vector<16xf32>
      %max3A_546 = arith.constant 1.000000e+00 : f32
      %max3A_547 = vector.broadcast %max3A_546 : f32 to vector<16xf32>
      %max3A_548 = arith.maximumf %div3A_542, %max3A_547 : vector<16xf32>
      %div3A_549 = arith.constant 1.000000e+00 : f32
      %div3A_550 = vector.broadcast %div3A_549 : f32 to vector<16xf32>
      %div3A_551 = arith.divf %div3A_550, %max3A_548 : vector<16xf32>
      %mul3A_552 = arith.mulf %min3A_545, %min3A_545 : vector<16xf32>
      %mul3A_553 = arith.mulf %div3A_551, %div3A_551 : vector<16xf32>
      %mul3A_554 = arith.constant 0.00293276203 : f32
      %mul3A_555 = vector.broadcast %mul3A_554 : f32 to vector<16xf32>
      %mul3A_556 = arith.mulf %mul3A_555, %mul3A_552 : vector<16xf32>
      %add3A_557 = arith.constant -0.0164131913 : f32
      %add3A_558 = vector.broadcast %add3A_557 : f32 to vector<16xf32>
      %add3A_559 = arith.addf %mul3A_556, %add3A_558 : vector<16xf32>
      %mul3A_560 = arith.constant 0.00293276203 : f32
      %mul3A_561 = vector.broadcast %mul3A_560 : f32 to vector<16xf32>
      %mul3A_562 = arith.mulf %mul3A_561, %mul3A_553 : vector<16xf32>
      %add3A_563 = arith.constant -0.0164131913 : f32
      %add3A_564 = vector.broadcast %add3A_563 : f32 to vector<16xf32>
      %add3A_565 = arith.addf %mul3A_562, %add3A_564 : vector<16xf32>
      %mul3A_566 = arith.mulf %add3A_559, %mul3A_552 : vector<16xf32>
      %add3A_567 = arith.constant 0.0432782434 : f32
      %add3A_568 = vector.broadcast %add3A_567 : f32 to vector<16xf32>
      %add3A_569 = arith.addf %mul3A_566, %add3A_568 : vector<16xf32>
      %mul3A_570 = arith.mulf %add3A_565, %mul3A_553 : vector<16xf32>
      %add3A_571 = arith.constant 0.0432782434 : f32
      %add3A_572 = vector.broadcast %add3A_571 : f32 to vector<16xf32>
      %add3A_573 = arith.addf %mul3A_570, %add3A_572 : vector<16xf32>
      %mul3A_574 = arith.mulf %add3A_569, %mul3A_552 : vector<16xf32>
      %add3A_575 = arith.constant -0.0755690038 : f32
      %add3A_576 = vector.broadcast %add3A_575 : f32 to vector<16xf32>
      %add3A_577 = arith.addf %mul3A_574, %add3A_576 : vector<16xf32>
      %mul3A_578 = arith.mulf %add3A_573, %mul3A_553 : vector<16xf32>
      %add3A_579 = arith.constant -0.0755690038 : f32
      %add3A_580 = vector.broadcast %add3A_579 : f32 to vector<16xf32>
      %add3A_581 = arith.addf %mul3A_578, %add3A_580 : vector<16xf32>
      %mul3A_582 = arith.mulf %add3A_577, %mul3A_552 : vector<16xf32>
      %add3A_583 = arith.constant 0.106674872 : f32
      %add3A_584 = vector.broadcast %add3A_583 : f32 to vector<16xf32>
      %add3A_585 = arith.addf %mul3A_582, %add3A_584 : vector<16xf32>
      %mul3A_586 = arith.mulf %add3A_581, %mul3A_553 : vector<16xf32>
      %add3A_587 = arith.constant 0.106674872 : f32
      %add3A_588 = vector.broadcast %add3A_587 : f32 to vector<16xf32>
      %add3A_589 = arith.addf %mul3A_586, %add3A_588 : vector<16xf32>
      %mul3A_590 = arith.mulf %add3A_585, %mul3A_552 : vector<16xf32>
      %add3A_591 = arith.constant -0.142111063 : f32
      %add3A_592 = vector.broadcast %add3A_591 : f32 to vector<16xf32>
      %add3A_593 = arith.addf %mul3A_590, %add3A_592 : vector<16xf32>
      %mul3A_594 = arith.mulf %add3A_589, %mul3A_553 : vector<16xf32>
      %add3A_595 = arith.constant -0.142111063 : f32
      %add3A_596 = vector.broadcast %add3A_595 : f32 to vector<16xf32>
      %add3A_597 = arith.addf %mul3A_594, %add3A_596 : vector<16xf32>
      %mul3A_598 = arith.mulf %add3A_593, %mul3A_552 : vector<16xf32>
      %add3A_599 = arith.constant 0.199936941 : f32
      %add3A_600 = vector.broadcast %add3A_599 : f32 to vector<16xf32>
      %add3A_601 = arith.addf %mul3A_598, %add3A_600 : vector<16xf32>
      %mul3A_602 = arith.mulf %add3A_597, %mul3A_553 : vector<16xf32>
      %add3A_603 = arith.constant 0.199936941 : f32
      %add3A_604 = vector.broadcast %add3A_603 : f32 to vector<16xf32>
      %add3A_605 = arith.addf %mul3A_602, %add3A_604 : vector<16xf32>
      %mul3A_606 = arith.mulf %add3A_601, %mul3A_552 : vector<16xf32>
      %add3A_607 = arith.constant -0.333331376 : f32
      %add3A_608 = vector.broadcast %add3A_607 : f32 to vector<16xf32>
      %add3A_609 = arith.addf %mul3A_606, %add3A_608 : vector<16xf32>
      %mul3A_610 = arith.mulf %add3A_605, %mul3A_553 : vector<16xf32>
      %add3A_611 = arith.constant -0.333331376 : f32
      %add3A_612 = vector.broadcast %add3A_611 : f32 to vector<16xf32>
      %add3A_613 = arith.addf %mul3A_610, %add3A_612 : vector<16xf32>
      %mul3A_614 = arith.mulf %add3A_609, %mul3A_552 : vector<16xf32>
      %add3A_615 = arith.constant 1.000000e+00 : f32
      %add3A_616 = vector.broadcast %add3A_615 : f32 to vector<16xf32>
      %add3A_617 = arith.addf %mul3A_614, %add3A_616 : vector<16xf32>
      %mul3A_618 = arith.mulf %add3A_613, %mul3A_553 : vector<16xf32>
      %add3A_619 = arith.constant 1.000000e+00 : f32
      %add3A_620 = vector.broadcast %add3A_619 : f32 to vector<16xf32>
      %add3A_621 = arith.addf %mul3A_618, %add3A_620 : vector<16xf32>
      %mul3A_622 = arith.mulf %min3A_545, %add3A_617 : vector<16xf32>
      %mul3A_623 = arith.mulf %div3A_551, %add3A_621 : vector<16xf32>
      %sub3A_624 = arith.constant 1.57079637 : f32
      %sub3A_625 = vector.broadcast %sub3A_624 : f32 to vector<16xf32>
      %sub3A_626 = arith.subf %sub3A_625, %mul3A_623 : vector<16xf32>
      %le3A_627 = arith.constant 1.000000e+00 : f32
      %le3A_628 = vector.broadcast %le3A_627 : f32 to vector<16xf32>
      %le3A_629 = arith.cmpf ole, %div3A_542, %le3A_628 : vector<16xf32>
      %select_n3A_630 = arith.select %le3A_629, %mul3A_622, %sub3A_626 : vector<16xi1>, vector<16xf32>
      %sub3A_631 = arith.subf %select_n3A_536, %select_n3A_630 : vector<16xf32>
      %mul3A_632 = arith.constant 0.405284733 : f32
      %mul3A_633 = vector.broadcast %mul3A_632 : f32 to vector<16xf32>
      %mul3A_634 = arith.mulf %mul3A_633, %sub3A_631 : vector<16xf32>
      %mul3A_635 = arith.mulf %mul3A_634, %sub3A_631 : vector<16xf32>
      %sub3A_636 = arith.subf %mul3A_635, %div3A_416 : vector<16xf32>
      %add3A_637 = arith.constant 1.000000e+00 : f32
      %add3A_638 = vector.broadcast %add3A_637 : f32 to vector<16xf32>
      %add3A_639 = arith.addf %sub3A_636, %add3A_638 : vector<16xf32>
      %add3A_640 = arith.constant 1.000000e-07 : f32
      %add3A_641 = vector.broadcast %add3A_640 : f32 to vector<16xf32>
      %add3A_642 = arith.addf %add3A_639, %add3A_641 : vector<16xf32>
      %div3A_643 = arith.divf %mul3A_635, %add3A_642 : vector<16xf32>
      %mul3A_644 = arith.mulf %div3A_643, %mul3A_635 : vector<16xf32>
      %sub3A_645 = arith.subf %sub3A_442, %mul3A_644 : vector<16xf32>
      %sub3A_646 = arith.constant 1.000000e+00 : f32
      %sub3A_647 = vector.broadcast %sub3A_646 : f32 to vector<16xf32>
      %sub3A_648 = arith.subf %sub3A_647, %sub3A_645 : vector<16xf32>
      %mul3A_649 = arith.mulf %sub3A_648, %get3A_388 : vector<16xf32>
      %add3A_650 = arith.addf %get3A_391, %mul3A_649 : vector<16xf32>
      %swap3A_651 = arith.constant 0 : index
      %swap3A_652 = tpu.vector_load %arg5[%swap3A_651] {strides = array<i32>} : memref<16xf32, #tpu.memory_space<vmem>>, vector<16xf32>,
      %swap3A_653 = vector.shape_cast %swap3A_652 : vector<16xf32> to vector<16xf32>
      %swap3A_654 = vector.shape_cast %add3A_650 : vector<16xf32> to vector<16xf32>
      tpu.vector_store %arg5[%swap3A_651], %swap3A_654 {strides = array<i32>} : memref<16xf32, #tpu.memory_space<vmem>>, vector<16xf32>,
      %scan3A_655 = arith.constant 0 : i32
      %scan3A_656 = arith.constant 2 : i32
      %scan3A_657 = arith.addi %scan3A_31, %scan3A_656 : i32
      %mul3A_658 = arith.constant 16 : i32
      %mul3A_659 = arith.muli %scan3A_657, %mul3A_658 : i32
      %add3A_660 = arith.constant 0 : i32
      %add3A_661 = arith.addi %add3A_660, %mul3A_659 : i32
      %get3A_662 = arith.index_cast %add3A_661 : i32 to index
      %get3A_663 = tpu.vector_load %arg4[%get3A_662] {strides = array<i32>} : memref<19008xf32, #tpu.memory_space<vmem>>, vector<16xf32>,
      %get3A_664 = vector.shape_cast %get3A_663 : vector<16xf32> to vector<16xf32>
      %add3A_665 = arith.constant 2112 : i32
      %add3A_666 = arith.addi %add3A_665, %mul3A_659 : i32
      %get3A_667 = arith.index_cast %add3A_666 : i32 to index
      %get3A_668 = tpu.vector_load %arg4[%get3A_667] {strides = array<i32>} : memref<19008xf32, #tpu.memory_space<vmem>>, vector<16xf32>,
      %get3A_669 = vector.shape_cast %get3A_668 : vector<16xf32> to vector<16xf32>
      %add3A_670 = arith.constant 4224 : i32
      %add3A_671 = arith.addi %add3A_670, %mul3A_659 : i32
      %get3A_672 = arith.index_cast %add3A_671 : i32 to index
      %get3A_673 = tpu.vector_load %arg4[%get3A_672] {strides = array<i32>} : memref<19008xf32, #tpu.memory_space<vmem>>, vector<16xf32>,
      %get3A_674 = vector.shape_cast %get3A_673 : vector<16xf32> to vector<16xf32>
      %add3A_675 = arith.constant 6336 : i32
      %add3A_676 = arith.addi %add3A_675, %mul3A_659 : i32
      %get3A_677 = arith.index_cast %add3A_676 : i32 to index
      %get3A_678 = tpu.vector_load %arg4[%get3A_677] {strides = array<i32>} : memref<19008xf32, #tpu.memory_space<vmem>>, vector<16xf32>,
      %get3A_679 = vector.shape_cast %get3A_678 : vector<16xf32> to vector<16xf32>
      %add3A_680 = arith.constant 8448 : i32
      %add3A_681 = arith.addi %add3A_680, %mul3A_659 : i32
      %get3A_682 = arith.index_cast %add3A_681 : i32 to index
      %get3A_683 = tpu.vector_load %arg4[%get3A_682] {strides = array<i32>} : memref<19008xf32, #tpu.memory_space<vmem>>, vector<16xf32>,
      %get3A_684 = vector.shape_cast %get3A_683 : vector<16xf32> to vector<16xf32>
      %add3A_685 = arith.constant 10560 : i32
      %add3A_686 = arith.addi %add3A_685, %mul3A_659 : i32
      %get3A_687 = arith.index_cast %add3A_686 : i32 to index
      %get3A_688 = tpu.vector_load %arg4[%get3A_687] {strides = array<i32>} : memref<19008xf32, #tpu.memory_space<vmem>>, vector<16xf32>,
      %get3A_689 = vector.shape_cast %get3A_688 : vector<16xf32> to vector<16xf32>
      %add3A_690 = arith.constant 12672 : i32
      %add3A_691 = arith.addi %add3A_690, %mul3A_659 : i32
      %get3A_692 = arith.index_cast %add3A_691 : i32 to index
      %get3A_693 = tpu.vector_load %arg4[%get3A_692] {strides = array<i32>} : memref<19008xf32, #tpu.memory_space<vmem>>, vector<16xf32>,
      %get3A_694 = vector.shape_cast %get3A_693 : vector<16xf32> to vector<16xf32>
      %add3A_695 = arith.constant 14784 : i32
      %add3A_696 = arith.addi %add3A_695, %mul3A_659 : i32
      %get3A_697 = arith.index_cast %add3A_696 : i32 to index
      %get3A_698 = tpu.vector_load %arg4[%get3A_697] {strides = array<i32>} : memref<19008xf32, #tpu.memory_space<vmem>>, vector<16xf32>,
      %get3A_699 = vector.shape_cast %get3A_698 : vector<16xf32> to vector<16xf32>
      %add3A_700 = arith.constant 16896 : i32
      %add3A_701 = arith.addi %add3A_700, %mul3A_659 : i32
      %get3A_702 = arith.index_cast %add3A_701 : i32 to index
      %get3A_703 = tpu.vector_load %arg4[%get3A_702] {strides = array<i32>} : memref<19008xf32, #tpu.memory_space<vmem>>, vector<16xf32>,
      %get3A_704 = vector.shape_cast %get3A_703 : vector<16xf32> to vector<16xf32>
      %get3A_705 = arith.constant 0 : index
      %get3A_706 = tpu.vector_load %arg5[%get3A_705] {strides = array<i32>} : memref<16xf32, #tpu.memory_space<vmem>>, vector<16xf32>,
      %get3A_707 = vector.shape_cast %get3A_706 : vector<16xf32> to vector<16xf32>
      %max3A_708 = arith.maximumf %get3A_664, %get3A_684 : vector<16xf32>
      %max3A_709 = arith.maximumf %get3A_669, %get3A_689 : vector<16xf32>
      %min3A_710 = arith.minimumf %get3A_674, %get3A_694 : vector<16xf32>
      %min3A_711 = arith.minimumf %get3A_679, %get3A_699 : vector<16xf32>
      %sub3A_712 = arith.subf %min3A_710, %max3A_708 : vector<16xf32>
      %max3A_713 = arith.constant 0.000000e+00 : f32
      %max3A_714 = vector.broadcast %max3A_713 : f32 to vector<16xf32>
      %max3A_715 = arith.maximumf %sub3A_712, %max3A_714 : vector<16xf32>
      %sub3A_716 = arith.subf %min3A_711, %max3A_709 : vector<16xf32>
      %max3A_717 = arith.constant 0.000000e+00 : f32
      %max3A_718 = vector.broadcast %max3A_717 : f32 to vector<16xf32>
      %max3A_719 = arith.maximumf %sub3A_716, %max3A_718 : vector<16xf32>
      %mul3A_720 = arith.mulf %max3A_715, %max3A_719 : vector<16xf32>
      %sub3A_721 = arith.subf %get3A_674, %get3A_664 : vector<16xf32>
      %sub3A_722 = arith.subf %get3A_679, %get3A_669 : vector<16xf32>
      %mul3A_723 = arith.mulf %sub3A_721, %sub3A_722 : vector<16xf32>
      %sub3A_724 = arith.subf %get3A_694, %get3A_684 : vector<16xf32>
      %sub3A_725 = arith.subf %get3A_699, %get3A_689 : vector<16xf32>
      %mul3A_726 = arith.mulf %sub3A_724, %sub3A_725 : vector<16xf32>
      %add3A_727 = arith.addf %mul3A_723, %mul3A_726 : vector<16xf32>
      %sub3A_728 = arith.subf %add3A_727, %mul3A_720 : vector<16xf32>
      %add3A_729 = arith.constant 1.000000e-07 : f32
      %add3A_730 = vector.broadcast %add3A_729 : f32 to vector<16xf32>
      %add3A_731 = arith.addf %sub3A_728, %add3A_730 : vector<16xf32>
      %div3A_732 = arith.divf %mul3A_720, %add3A_731 : vector<16xf32>
      %add3A_733 = arith.addf %get3A_674, %get3A_664 : vector<16xf32>
      %add3A_734 = arith.addf %get3A_694, %get3A_684 : vector<16xf32>
      %sub3A_735 = arith.subf %add3A_733, %add3A_734 : vector<16xf32>
      %add3A_736 = arith.addf %get3A_679, %get3A_669 : vector<16xf32>
      %add3A_737 = arith.addf %get3A_699, %get3A_689 : vector<16xf32>
      %sub3A_738 = arith.subf %add3A_736, %add3A_737 : vector<16xf32>
      %mul3A_739 = arith.mulf %sub3A_735, %sub3A_735 : vector<16xf32>
      %mul3A_740 = arith.mulf %sub3A_738, %sub3A_738 : vector<16xf32>
      %add3A_741 = arith.addf %mul3A_739, %mul3A_740 : vector<16xf32>
      %max3A_742 = arith.maximumf %get3A_674, %get3A_694 : vector<16xf32>
      %min3A_743 = arith.minimumf %get3A_664, %get3A_684 : vector<16xf32>
      %sub3A_744 = arith.subf %max3A_742, %min3A_743 : vector<16xf32>
      %max3A_745 = arith.maximumf %get3A_679, %get3A_699 : vector<16xf32>
      %min3A_746 = arith.minimumf %get3A_669, %get3A_689 : vector<16xf32>
      %sub3A_747 = arith.subf %max3A_745, %min3A_746 : vector<16xf32>
      %mul3A_748 = arith.mulf %sub3A_744, %sub3A_744 : vector<16xf32>
      %mul3A_749 = arith.mulf %sub3A_747, %sub3A_747 : vector<16xf32>
      %add3A_750 = arith.addf %mul3A_748, %mul3A_749 : vector<16xf32>
      %mul3A_751 = arith.constant 4.000000e+00 : f32
      %mul3A_752 = vector.broadcast %mul3A_751 : f32 to vector<16xf32>
      %mul3A_753 = arith.mulf %mul3A_752, %add3A_750 : vector<16xf32>
      %add3A_754 = arith.constant 4.000000e-07 : f32
      %add3A_755 = vector.broadcast %add3A_754 : f32 to vector<16xf32>
      %add3A_756 = arith.addf %mul3A_753, %add3A_755 : vector<16xf32>
      %div3A_757 = arith.divf %add3A_741, %add3A_756 : vector<16xf32>
      %sub3A_758 = arith.subf %div3A_732, %div3A_757 : vector<16xf32>
      %sub3A_759 = arith.subf %get3A_674, %get3A_664 : vector<16xf32>
      %sub3A_760 = arith.subf %get3A_679, %get3A_669 : vector<16xf32>
      %add3A_761 = arith.constant 1.000000e-07 : f32
      %add3A_762 = vector.broadcast %add3A_761 : f32 to vector<16xf32>
      %add3A_763 = arith.addf %sub3A_760, %add3A_762 : vector<16xf32>
      %div3A_764 = arith.divf %sub3A_759, %add3A_763 : vector<16xf32>
      %min3A_765 = arith.constant 1.000000e+00 : f32
      %min3A_766 = vector.broadcast %min3A_765 : f32 to vector<16xf32>
      %min3A_767 = arith.minimumf %div3A_764, %min3A_766 : vector<16xf32>
      %max3A_768 = arith.constant 1.000000e+00 : f32
      %max3A_769 = vector.broadcast %max3A_768 : f32 to vector<16xf32>
      %max3A_770 = arith.maximumf %div3A_764, %max3A_769 : vector<16xf32>
      %div3A_771 = arith.constant 1.000000e+00 : f32
      %div3A_772 = vector.broadcast %div3A_771 : f32 to vector<16xf32>
      %div3A_773 = arith.divf %div3A_772, %max3A_770 : vector<16xf32>
      %mul3A_774 = arith.mulf %min3A_767, %min3A_767 : vector<16xf32>
      %mul3A_775 = arith.mulf %div3A_773, %div3A_773 : vector<16xf32>
      %mul3A_776 = arith.constant 0.00293276203 : f32
      %mul3A_777 = vector.broadcast %mul3A_776 : f32 to vector<16xf32>
      %mul3A_778 = arith.mulf %mul3A_777, %mul3A_774 : vector<16xf32>
      %add3A_779 = arith.constant -0.0164131913 : f32
      %add3A_780 = vector.broadcast %add3A_779 : f32 to vector<16xf32>
      %add3A_781 = arith.addf %mul3A_778, %add3A_780 : vector<16xf32>
      %mul3A_782 = arith.constant 0.00293276203 : f32
      %mul3A_783 = vector.broadcast %mul3A_782 : f32 to vector<16xf32>
      %mul3A_784 = arith.mulf %mul3A_783, %mul3A_775 : vector<16xf32>
      %add3A_785 = arith.constant -0.0164131913 : f32
      %add3A_786 = vector.broadcast %add3A_785 : f32 to vector<16xf32>
      %add3A_787 = arith.addf %mul3A_784, %add3A_786 : vector<16xf32>
      %mul3A_788 = arith.mulf %add3A_781, %mul3A_774 : vector<16xf32>
      %add3A_789 = arith.constant 0.0432782434 : f32
      %add3A_790 = vector.broadcast %add3A_789 : f32 to vector<16xf32>
      %add3A_791 = arith.addf %mul3A_788, %add3A_790 : vector<16xf32>
      %mul3A_792 = arith.mulf %add3A_787, %mul3A_775 : vector<16xf32>
      %add3A_793 = arith.constant 0.0432782434 : f32
      %add3A_794 = vector.broadcast %add3A_793 : f32 to vector<16xf32>
      %add3A_795 = arith.addf %mul3A_792, %add3A_794 : vector<16xf32>
      %mul3A_796 = arith.mulf %add3A_791, %mul3A_774 : vector<16xf32>
      %add3A_797 = arith.constant -0.0755690038 : f32
      %add3A_798 = vector.broadcast %add3A_797 : f32 to vector<16xf32>
      %add3A_799 = arith.addf %mul3A_796, %add3A_798 : vector<16xf32>
      %mul3A_800 = arith.mulf %add3A_795, %mul3A_775 : vector<16xf32>
      %add3A_801 = arith.constant -0.0755690038 : f32
      %add3A_802 = vector.broadcast %add3A_801 : f32 to vector<16xf32>
      %add3A_803 = arith.addf %mul3A_800, %add3A_802 : vector<16xf32>
      %mul3A_804 = arith.mulf %add3A_799, %mul3A_774 : vector<16xf32>
      %add3A_805 = arith.constant 0.106674872 : f32
      %add3A_806 = vector.broadcast %add3A_805 : f32 to vector<16xf32>
      %add3A_807 = arith.addf %mul3A_804, %add3A_806 : vector<16xf32>
      %mul3A_808 = arith.mulf %add3A_803, %mul3A_775 : vector<16xf32>
      %add3A_809 = arith.constant 0.106674872 : f32
      %add3A_810 = vector.broadcast %add3A_809 : f32 to vector<16xf32>
      %add3A_811 = arith.addf %mul3A_808, %add3A_810 : vector<16xf32>
      %mul3A_812 = arith.mulf %add3A_807, %mul3A_774 : vector<16xf32>
      %add3A_813 = arith.constant -0.142111063 : f32
      %add3A_814 = vector.broadcast %add3A_813 : f32 to vector<16xf32>
      %add3A_815 = arith.addf %mul3A_812, %add3A_814 : vector<16xf32>
      %mul3A_816 = arith.mulf %add3A_811, %mul3A_775 : vector<16xf32>
      %add3A_817 = arith.constant -0.142111063 : f32
      %add3A_818 = vector.broadcast %add3A_817 : f32 to vector<16xf32>
      %add3A_819 = arith.addf %mul3A_816, %add3A_818 : vector<16xf32>
      %mul3A_820 = arith.mulf %add3A_815, %mul3A_774 : vector<16xf32>
      %add3A_821 = arith.constant 0.199936941 : f32
      %add3A_822 = vector.broadcast %add3A_821 : f32 to vector<16xf32>
      %add3A_823 = arith.addf %mul3A_820, %add3A_822 : vector<16xf32>
      %mul3A_824 = arith.mulf %add3A_819, %mul3A_775 : vector<16xf32>
      %add3A_825 = arith.constant 0.199936941 : f32
      %add3A_826 = vector.broadcast %add3A_825 : f32 to vector<16xf32>
      %add3A_827 = arith.addf %mul3A_824, %add3A_826 : vector<16xf32>
      %mul3A_828 = arith.mulf %add3A_823, %mul3A_774 : vector<16xf32>
      %add3A_829 = arith.constant -0.333331376 : f32
      %add3A_830 = vector.broadcast %add3A_829 : f32 to vector<16xf32>
      %add3A_831 = arith.addf %mul3A_828, %add3A_830 : vector<16xf32>
      %mul3A_832 = arith.mulf %add3A_827, %mul3A_775 : vector<16xf32>
      %add3A_833 = arith.constant -0.333331376 : f32
      %add3A_834 = vector.broadcast %add3A_833 : f32 to vector<16xf32>
      %add3A_835 = arith.addf %mul3A_832, %add3A_834 : vector<16xf32>
      %mul3A_836 = arith.mulf %add3A_831, %mul3A_774 : vector<16xf32>
      %add3A_837 = arith.constant 1.000000e+00 : f32
      %add3A_838 = vector.broadcast %add3A_837 : f32 to vector<16xf32>
      %add3A_839 = arith.addf %mul3A_836, %add3A_838 : vector<16xf32>
      %mul3A_840 = arith.mulf %add3A_835, %mul3A_775 : vector<16xf32>
      %add3A_841 = arith.constant 1.000000e+00 : f32
      %add3A_842 = vector.broadcast %add3A_841 : f32 to vector<16xf32>
      %add3A_843 = arith.addf %mul3A_840, %add3A_842 : vector<16xf32>
      %mul3A_844 = arith.mulf %min3A_767, %add3A_839 : vector<16xf32>
      %mul3A_845 = arith.mulf %div3A_773, %add3A_843 : vector<16xf32>
      %sub3A_846 = arith.constant 1.57079637 : f32
      %sub3A_847 = vector.broadcast %sub3A_846 : f32 to vector<16xf32>
      %sub3A_848 = arith.subf %sub3A_847, %mul3A_845 : vector<16xf32>
      %le3A_849 = arith.constant 1.000000e+00 : f32
      %le3A_850 = vector.broadcast %le3A_849 : f32 to vector<16xf32>
      %le3A_851 = arith.cmpf ole, %div3A_764, %le3A_850 : vector<16xf32>
      %select_n3A_852 = arith.select %le3A_851, %mul3A_844, %sub3A_848 : vector<16xi1>, vector<16xf32>
      %sub3A_853 = arith.subf %get3A_694, %get3A_684 : vector<16xf32>
      %sub3A_854 = arith.subf %get3A_699, %get3A_689 : vector<16xf32>
      %add3A_855 = arith.constant 1.000000e-07 : f32
      %add3A_856 = vector.broadcast %add3A_855 : f32 to vector<16xf32>
      %add3A_857 = arith.addf %sub3A_854, %add3A_856 : vector<16xf32>
      %div3A_858 = arith.divf %sub3A_853, %add3A_857 : vector<16xf32>
      %min3A_859 = arith.constant 1.000000e+00 : f32
      %min3A_860 = vector.broadcast %min3A_859 : f32 to vector<16xf32>
      %min3A_861 = arith.minimumf %div3A_858, %min3A_860 : vector<16xf32>
      %max3A_862 = arith.constant 1.000000e+00 : f32
      %max3A_863 = vector.broadcast %max3A_862 : f32 to vector<16xf32>
      %max3A_864 = arith.maximumf %div3A_858, %max3A_863 : vector<16xf32>
      %div3A_865 = arith.constant 1.000000e+00 : f32
      %div3A_866 = vector.broadcast %div3A_865 : f32 to vector<16xf32>
      %div3A_867 = arith.divf %div3A_866, %max3A_864 : vector<16xf32>
      %mul3A_868 = arith.mulf %min3A_861, %min3A_861 : vector<16xf32>
      %mul3A_869 = arith.mulf %div3A_867, %div3A_867 : vector<16xf32>
      %mul3A_870 = arith.constant 0.00293276203 : f32
      %mul3A_871 = vector.broadcast %mul3A_870 : f32 to vector<16xf32>
      %mul3A_872 = arith.mulf %mul3A_871, %mul3A_868 : vector<16xf32>
      %add3A_873 = arith.constant -0.0164131913 : f32
      %add3A_874 = vector.broadcast %add3A_873 : f32 to vector<16xf32>
      %add3A_875 = arith.addf %mul3A_872, %add3A_874 : vector<16xf32>
      %mul3A_876 = arith.constant 0.00293276203 : f32
      %mul3A_877 = vector.broadcast %mul3A_876 : f32 to vector<16xf32>
      %mul3A_878 = arith.mulf %mul3A_877, %mul3A_869 : vector<16xf32>
      %add3A_879 = arith.constant -0.0164131913 : f32
      %add3A_880 = vector.broadcast %add3A_879 : f32 to vector<16xf32>
      %add3A_881 = arith.addf %mul3A_878, %add3A_880 : vector<16xf32>
      %mul3A_882 = arith.mulf %add3A_875, %mul3A_868 : vector<16xf32>
      %add3A_883 = arith.constant 0.0432782434 : f32
      %add3A_884 = vector.broadcast %add3A_883 : f32 to vector<16xf32>
      %add3A_885 = arith.addf %mul3A_882, %add3A_884 : vector<16xf32>
      %mul3A_886 = arith.mulf %add3A_881, %mul3A_869 : vector<16xf32>
      %add3A_887 = arith.constant 0.0432782434 : f32
      %add3A_888 = vector.broadcast %add3A_887 : f32 to vector<16xf32>
      %add3A_889 = arith.addf %mul3A_886, %add3A_888 : vector<16xf32>
      %mul3A_890 = arith.mulf %add3A_885, %mul3A_868 : vector<16xf32>
      %add3A_891 = arith.constant -0.0755690038 : f32
      %add3A_892 = vector.broadcast %add3A_891 : f32 to vector<16xf32>
      %add3A_893 = arith.addf %mul3A_890, %add3A_892 : vector<16xf32>
      %mul3A_894 = arith.mulf %add3A_889, %mul3A_869 : vector<16xf32>
      %add3A_895 = arith.constant -0.0755690038 : f32
      %add3A_896 = vector.broadcast %add3A_895 : f32 to vector<16xf32>
      %add3A_897 = arith.addf %mul3A_894, %add3A_896 : vector<16xf32>
      %mul3A_898 = arith.mulf %add3A_893, %mul3A_868 : vector<16xf32>
      %add3A_899 = arith.constant 0.106674872 : f32
      %add3A_900 = vector.broadcast %add3A_899 : f32 to vector<16xf32>
      %add3A_901 = arith.addf %mul3A_898, %add3A_900 : vector<16xf32>
      %mul3A_902 = arith.mulf %add3A_897, %mul3A_869 : vector<16xf32>
      %add3A_903 = arith.constant 0.106674872 : f32
      %add3A_904 = vector.broadcast %add3A_903 : f32 to vector<16xf32>
      %add3A_905 = arith.addf %mul3A_902, %add3A_904 : vector<16xf32>
      %mul3A_906 = arith.mulf %add3A_901, %mul3A_868 : vector<16xf32>
      %add3A_907 = arith.constant -0.142111063 : f32
      %add3A_908 = vector.broadcast %add3A_907 : f32 to vector<16xf32>
      %add3A_909 = arith.addf %mul3A_906, %add3A_908 : vector<16xf32>
      %mul3A_910 = arith.mulf %add3A_905, %mul3A_869 : vector<16xf32>
      %add3A_911 = arith.constant -0.142111063 : f32
      %add3A_912 = vector.broadcast %add3A_911 : f32 to vector<16xf32>
      %add3A_913 = arith.addf %mul3A_910, %add3A_912 : vector<16xf32>
      %mul3A_914 = arith.mulf %add3A_909, %mul3A_868 : vector<16xf32>
      %add3A_915 = arith.constant 0.199936941 : f32
      %add3A_916 = vector.broadcast %add3A_915 : f32 to vector<16xf32>
      %add3A_917 = arith.addf %mul3A_914, %add3A_916 : vector<16xf32>
      %mul3A_918 = arith.mulf %add3A_913, %mul3A_869 : vector<16xf32>
      %add3A_919 = arith.constant 0.199936941 : f32
      %add3A_920 = vector.broadcast %add3A_919 : f32 to vector<16xf32>
      %add3A_921 = arith.addf %mul3A_918, %add3A_920 : vector<16xf32>
      %mul3A_922 = arith.mulf %add3A_917, %mul3A_868 : vector<16xf32>
      %add3A_923 = arith.constant -0.333331376 : f32
      %add3A_924 = vector.broadcast %add3A_923 : f32 to vector<16xf32>
      %add3A_925 = arith.addf %mul3A_922, %add3A_924 : vector<16xf32>
      %mul3A_926 = arith.mulf %add3A_921, %mul3A_869 : vector<16xf32>
      %add3A_927 = arith.constant -0.333331376 : f32
      %add3A_928 = vector.broadcast %add3A_927 : f32 to vector<16xf32>
      %add3A_929 = arith.addf %mul3A_926, %add3A_928 : vector<16xf32>
      %mul3A_930 = arith.mulf %add3A_925, %mul3A_868 : vector<16xf32>
      %add3A_931 = arith.constant 1.000000e+00 : f32
      %add3A_932 = vector.broadcast %add3A_931 : f32 to vector<16xf32>
      %add3A_933 = arith.addf %mul3A_930, %add3A_932 : vector<16xf32>
      %mul3A_934 = arith.mulf %add3A_929, %mul3A_869 : vector<16xf32>
      %add3A_935 = arith.constant 1.000000e+00 : f32
      %add3A_936 = vector.broadcast %add3A_935 : f32 to vector<16xf32>
      %add3A_937 = arith.addf %mul3A_934, %add3A_936 : vector<16xf32>
      %mul3A_938 = arith.mulf %min3A_861, %add3A_933 : vector<16xf32>
      %mul3A_939 = arith.mulf %div3A_867, %add3A_937 : vector<16xf32>
      %sub3A_940 = arith.constant 1.57079637 : f32
      %sub3A_941 = vector.broadcast %sub3A_940 : f32 to vector<16xf32>
      %sub3A_942 = arith.subf %sub3A_941, %mul3A_939 : vector<16xf32>
      %le3A_943 = arith.constant 1.000000e+00 : f32
      %le3A_944 = vector.broadcast %le3A_943 : f32 to vector<16xf32>
      %le3A_945 = arith.cmpf ole, %div3A_858, %le3A_944 : vector<16xf32>
      %select_n3A_946 = arith.select %le3A_945, %mul3A_938, %sub3A_942 : vector<16xi1>, vector<16xf32>
      %sub3A_947 = arith.subf %select_n3A_852, %select_n3A_946 : vector<16xf32>
      %mul3A_948 = arith.constant 0.405284733 : f32
      %mul3A_949 = vector.broadcast %mul3A_948 : f32 to vector<16xf32>
      %mul3A_950 = arith.mulf %mul3A_949, %sub3A_947 : vector<16xf32>
      %mul3A_951 = arith.mulf %mul3A_950, %sub3A_947 : vector<16xf32>
      %sub3A_952 = arith.subf %mul3A_951, %div3A_732 : vector<16xf32>
      %add3A_953 = arith.constant 1.000000e+00 : f32
      %add3A_954 = vector.broadcast %add3A_953 : f32 to vector<16xf32>
      %add3A_955 = arith.addf %sub3A_952, %add3A_954 : vector<16xf32>
      %add3A_956 = arith.constant 1.000000e-07 : f32
      %add3A_957 = vector.broadcast %add3A_956 : f32 to vector<16xf32>
      %add3A_958 = arith.addf %add3A_955, %add3A_957 : vector<16xf32>
      %div3A_959 = arith.divf %mul3A_951, %add3A_958 : vector<16xf32>
      %mul3A_960 = arith.mulf %div3A_959, %mul3A_951 : vector<16xf32>
      %sub3A_961 = arith.subf %sub3A_758, %mul3A_960 : vector<16xf32>
      %sub3A_962 = arith.constant 1.000000e+00 : f32
      %sub3A_963 = vector.broadcast %sub3A_962 : f32 to vector<16xf32>
      %sub3A_964 = arith.subf %sub3A_963, %sub3A_961 : vector<16xf32>
      %mul3A_965 = arith.mulf %sub3A_964, %get3A_704 : vector<16xf32>
      %add3A_966 = arith.addf %get3A_707, %mul3A_965 : vector<16xf32>
      %swap3A_967 = arith.constant 0 : index
      %swap3A_968 = tpu.vector_load %arg5[%swap3A_967] {strides = array<i32>} : memref<16xf32, #tpu.memory_space<vmem>>, vector<16xf32>,
      %swap3A_969 = vector.shape_cast %swap3A_968 : vector<16xf32> to vector<16xf32>
      %swap3A_970 = vector.shape_cast %add3A_966 : vector<16xf32> to vector<16xf32>
      tpu.vector_store %arg5[%swap3A_967], %swap3A_970 {strides = array<i32>} : memref<16xf32, #tpu.memory_space<vmem>>, vector<16xf32>,
      %scan3A_971 = arith.constant 0 : i32
      %scan3A_972 = arith.constant 3 : i32
      %scan3A_973 = arith.addi %scan3A_31, %scan3A_972 : i32
      %mul3A_974 = arith.constant 16 : i32
      %mul3A_975 = arith.muli %scan3A_973, %mul3A_974 : i32
      %add3A_976 = arith.constant 0 : i32
      %add3A_977 = arith.addi %add3A_976, %mul3A_975 : i32
      %get3A_978 = arith.index_cast %add3A_977 : i32 to index
      %get3A_979 = tpu.vector_load %arg4[%get3A_978] {strides = array<i32>} : memref<19008xf32, #tpu.memory_space<vmem>>, vector<16xf32>,
      %get3A_980 = vector.shape_cast %get3A_979 : vector<16xf32> to vector<16xf32>
      %add3A_981 = arith.constant 2112 : i32
      %add3A_982 = arith.addi %add3A_981, %mul3A_975 : i32
      %get3A_983 = arith.index_cast %add3A_982 : i32 to index
      %get3A_984 = tpu.vector_load %arg4[%get3A_983] {strides = array<i32>} : memref<19008xf32, #tpu.memory_space<vmem>>, vector<16xf32>,
      %get3A_985 = vector.shape_cast %get3A_984 : vector<16xf32> to vector<16xf32>
      %add3A_986 = arith.constant 4224 : i32
      %add3A_987 = arith.addi %add3A_986, %mul3A_975 : i32
      %get3A_988 = arith.index_cast %add3A_987 : i32 to index
      %get3A_989 = tpu.vector_load %arg4[%get3A_988] {strides = array<i32>} : memref<19008xf32, #tpu.memory_space<vmem>>, vector<16xf32>,
      %get3A_990 = vector.shape_cast %get3A_989 : vector<16xf32> to vector<16xf32>
      %add3A_991 = arith.constant 6336 : i32
      %add3A_992 = arith.addi %add3A_991, %mul3A_975 : i32
      %get3A_993 = arith.index_cast %add3A_992 : i32 to index
      %get3A_994 = tpu.vector_load %arg4[%get3A_993] {strides = array<i32>} : memref<19008xf32, #tpu.memory_space<vmem>>, vector<16xf32>,
      %get3A_995 = vector.shape_cast %get3A_994 : vector<16xf32> to vector<16xf32>
      %add3A_996 = arith.constant 8448 : i32
      %add3A_997 = arith.addi %add3A_996, %mul3A_975 : i32
      %get3A_998 = arith.index_cast %add3A_997 : i32 to index
      %get3A_999 = tpu.vector_load %arg4[%get3A_998] {strides = array<i32>} : memref<19008xf32, #tpu.memory_space<vmem>>, vector<16xf32>,
      %get3A_1000 = vector.shape_cast %get3A_999 : vector<16xf32> to vector<16xf32>
      %add3A_1001 = arith.constant 10560 : i32
      %add3A_1002 = arith.addi %add3A_1001, %mul3A_975 : i32
      %get3A_1003 = arith.index_cast %add3A_1002 : i32 to index
      %get3A_1004 = tpu.vector_load %arg4[%get3A_1003] {strides = array<i32>} : memref<19008xf32, #tpu.memory_space<vmem>>, vector<16xf32>,
      %get3A_1005 = vector.shape_cast %get3A_1004 : vector<16xf32> to vector<16xf32>
      %add3A_1006 = arith.constant 12672 : i32
      %add3A_1007 = arith.addi %add3A_1006, %mul3A_975 : i32
      %get3A_1008 = arith.index_cast %add3A_1007 : i32 to index
      %get3A_1009 = tpu.vector_load %arg4[%get3A_1008] {strides = array<i32>} : memref<19008xf32, #tpu.memory_space<vmem>>, vector<16xf32>,
      %get3A_1010 = vector.shape_cast %get3A_1009 : vector<16xf32> to vector<16xf32>
      %add3A_1011 = arith.constant 14784 : i32
      %add3A_1012 = arith.addi %add3A_1011, %mul3A_975 : i32
      %get3A_1013 = arith.index_cast %add3A_1012 : i32 to index
      %get3A_1014 = tpu.vector_load %arg4[%get3A_1013] {strides = array<i32>} : memref<19008xf32, #tpu.memory_space<vmem>>, vector<16xf32>,
      %get3A_1015 = vector.shape_cast %get3A_1014 : vector<16xf32> to vector<16xf32>
      %add3A_1016 = arith.constant 16896 : i32
      %add3A_1017 = arith.addi %add3A_1016, %mul3A_975 : i32
      %get3A_1018 = arith.index_cast %add3A_1017 : i32 to index
      %get3A_1019 = tpu.vector_load %arg4[%get3A_1018] {strides = array<i32>} : memref<19008xf32, #tpu.memory_space<vmem>>, vector<16xf32>,
      %get3A_1020 = vector.shape_cast %get3A_1019 : vector<16xf32> to vector<16xf32>
      %get3A_1021 = arith.constant 0 : index
      %get3A_1022 = tpu.vector_load %arg5[%get3A_1021] {strides = array<i32>} : memref<16xf32, #tpu.memory_space<vmem>>, vector<16xf32>,
      %get3A_1023 = vector.shape_cast %get3A_1022 : vector<16xf32> to vector<16xf32>
      %max3A_1024 = arith.maximumf %get3A_980, %get3A_1000 : vector<16xf32>
      %max3A_1025 = arith.maximumf %get3A_985, %get3A_1005 : vector<16xf32>
      %min3A_1026 = arith.minimumf %get3A_990, %get3A_1010 : vector<16xf32>
      %min3A_1027 = arith.minimumf %get3A_995, %get3A_1015 : vector<16xf32>
      %sub3A_1028 = arith.subf %min3A_1026, %max3A_1024 : vector<16xf32>
      %max3A_1029 = arith.constant 0.000000e+00 : f32
      %max3A_1030 = vector.broadcast %max3A_1029 : f32 to vector<16xf32>
      %max3A_1031 = arith.maximumf %sub3A_1028, %max3A_1030 : vector<16xf32>
      %sub3A_1032 = arith.subf %min3A_1027, %max3A_1025 : vector<16xf32>
      %max3A_1033 = arith.constant 0.000000e+00 : f32
      %max3A_1034 = vector.broadcast %max3A_1033 : f32 to vector<16xf32>
      %max3A_1035 = arith.maximumf %sub3A_1032, %max3A_1034 : vector<16xf32>
      %mul3A_1036 = arith.mulf %max3A_1031, %max3A_1035 : vector<16xf32>
      %sub3A_1037 = arith.subf %get3A_990, %get3A_980 : vector<16xf32>
      %sub3A_1038 = arith.subf %get3A_995, %get3A_985 : vector<16xf32>
      %mul3A_1039 = arith.mulf %sub3A_1037, %sub3A_1038 : vector<16xf32>
      %sub3A_1040 = arith.subf %get3A_1010, %get3A_1000 : vector<16xf32>
      %sub3A_1041 = arith.subf %get3A_1015, %get3A_1005 : vector<16xf32>
      %mul3A_1042 = arith.mulf %sub3A_1040, %sub3A_1041 : vector<16xf32>
      %add3A_1043 = arith.addf %mul3A_1039, %mul3A_1042 : vector<16xf32>
      %sub3A_1044 = arith.subf %add3A_1043, %mul3A_1036 : vector<16xf32>
      %add3A_1045 = arith.constant 1.000000e-07 : f32
      %add3A_1046 = vector.broadcast %add3A_1045 : f32 to vector<16xf32>
      %add3A_1047 = arith.addf %sub3A_1044, %add3A_1046 : vector<16xf32>
      %div3A_1048 = arith.divf %mul3A_1036, %add3A_1047 : vector<16xf32>
      %add3A_1049 = arith.addf %get3A_990, %get3A_980 : vector<16xf32>
      %add3A_1050 = arith.addf %get3A_1010, %get3A_1000 : vector<16xf32>
      %sub3A_1051 = arith.subf %add3A_1049, %add3A_1050 : vector<16xf32>
      %add3A_1052 = arith.addf %get3A_995, %get3A_985 : vector<16xf32>
      %add3A_1053 = arith.addf %get3A_1015, %get3A_1005 : vector<16xf32>
      %sub3A_1054 = arith.subf %add3A_1052, %add3A_1053 : vector<16xf32>
      %mul3A_1055 = arith.mulf %sub3A_1051, %sub3A_1051 : vector<16xf32>
      %mul3A_1056 = arith.mulf %sub3A_1054, %sub3A_1054 : vector<16xf32>
      %add3A_1057 = arith.addf %mul3A_1055, %mul3A_1056 : vector<16xf32>
      %max3A_1058 = arith.maximumf %get3A_990, %get3A_1010 : vector<16xf32>
      %min3A_1059 = arith.minimumf %get3A_980, %get3A_1000 : vector<16xf32>
      %sub3A_1060 = arith.subf %max3A_1058, %min3A_1059 : vector<16xf32>
      %max3A_1061 = arith.maximumf %get3A_995, %get3A_1015 : vector<16xf32>
      %min3A_1062 = arith.minimumf %get3A_985, %get3A_1005 : vector<16xf32>
      %sub3A_1063 = arith.subf %max3A_1061, %min3A_1062 : vector<16xf32>
      %mul3A_1064 = arith.mulf %sub3A_1060, %sub3A_1060 : vector<16xf32>
      %mul3A_1065 = arith.mulf %sub3A_1063, %sub3A_1063 : vector<16xf32>
      %add3A_1066 = arith.addf %mul3A_1064, %mul3A_1065 : vector<16xf32>
      %mul3A_1067 = arith.constant 4.000000e+00 : f32
      %mul3A_1068 = vector.broadcast %mul3A_1067 : f32 to vector<16xf32>
      %mul3A_1069 = arith.mulf %mul3A_1068, %add3A_1066 : vector<16xf32>
      %add3A_1070 = arith.constant 4.000000e-07 : f32
      %add3A_1071 = vector.broadcast %add3A_1070 : f32 to vector<16xf32>
      %add3A_1072 = arith.addf %mul3A_1069, %add3A_1071 : vector<16xf32>
      %div3A_1073 = arith.divf %add3A_1057, %add3A_1072 : vector<16xf32>
      %sub3A_1074 = arith.subf %div3A_1048, %div3A_1073 : vector<16xf32>
      %sub3A_1075 = arith.subf %get3A_990, %get3A_980 : vector<16xf32>
      %sub3A_1076 = arith.subf %get3A_995, %get3A_985 : vector<16xf32>
      %add3A_1077 = arith.constant 1.000000e-07 : f32
      %add3A_1078 = vector.broadcast %add3A_1077 : f32 to vector<16xf32>
      %add3A_1079 = arith.addf %sub3A_1076, %add3A_1078 : vector<16xf32>
      %div3A_1080 = arith.divf %sub3A_1075, %add3A_1079 : vector<16xf32>
      %min3A_1081 = arith.constant 1.000000e+00 : f32
      %min3A_1082 = vector.broadcast %min3A_1081 : f32 to vector<16xf32>
      %min3A_1083 = arith.minimumf %div3A_1080, %min3A_1082 : vector<16xf32>
      %max3A_1084 = arith.constant 1.000000e+00 : f32
      %max3A_1085 = vector.broadcast %max3A_1084 : f32 to vector<16xf32>
      %max3A_1086 = arith.maximumf %div3A_1080, %max3A_1085 : vector<16xf32>
      %div3A_1087 = arith.constant 1.000000e+00 : f32
      %div3A_1088 = vector.broadcast %div3A_1087 : f32 to vector<16xf32>
      %div3A_1089 = arith.divf %div3A_1088, %max3A_1086 : vector<16xf32>
      %mul3A_1090 = arith.mulf %min3A_1083, %min3A_1083 : vector<16xf32>
      %mul3A_1091 = arith.mulf %div3A_1089, %div3A_1089 : vector<16xf32>
      %mul3A_1092 = arith.constant 0.00293276203 : f32
      %mul3A_1093 = vector.broadcast %mul3A_1092 : f32 to vector<16xf32>
      %mul3A_1094 = arith.mulf %mul3A_1093, %mul3A_1090 : vector<16xf32>
      %add3A_1095 = arith.constant -0.0164131913 : f32
      %add3A_1096 = vector.broadcast %add3A_1095 : f32 to vector<16xf32>
      %add3A_1097 = arith.addf %mul3A_1094, %add3A_1096 : vector<16xf32>
      %mul3A_1098 = arith.constant 0.00293276203 : f32
      %mul3A_1099 = vector.broadcast %mul3A_1098 : f32 to vector<16xf32>
      %mul3A_1100 = arith.mulf %mul3A_1099, %mul3A_1091 : vector<16xf32>
      %add3A_1101 = arith.constant -0.0164131913 : f32
      %add3A_1102 = vector.broadcast %add3A_1101 : f32 to vector<16xf32>
      %add3A_1103 = arith.addf %mul3A_1100, %add3A_1102 : vector<16xf32>
      %mul3A_1104 = arith.mulf %add3A_1097, %mul3A_1090 : vector<16xf32>
      %add3A_1105 = arith.constant 0.0432782434 : f32
      %add3A_1106 = vector.broadcast %add3A_1105 : f32 to vector<16xf32>
      %add3A_1107 = arith.addf %mul3A_1104, %add3A_1106 : vector<16xf32>
      %mul3A_1108 = arith.mulf %add3A_1103, %mul3A_1091 : vector<16xf32>
      %add3A_1109 = arith.constant 0.0432782434 : f32
      %add3A_1110 = vector.broadcast %add3A_1109 : f32 to vector<16xf32>
      %add3A_1111 = arith.addf %mul3A_1108, %add3A_1110 : vector<16xf32>
      %mul3A_1112 = arith.mulf %add3A_1107, %mul3A_1090 : vector<16xf32>
      %add3A_1113 = arith.constant -0.0755690038 : f32
      %add3A_1114 = vector.broadcast %add3A_1113 : f32 to vector<16xf32>
      %add3A_1115 = arith.addf %mul3A_1112, %add3A_1114 : vector<16xf32>
      %mul3A_1116 = arith.mulf %add3A_1111, %mul3A_1091 : vector<16xf32>
      %add3A_1117 = arith.constant -0.0755690038 : f32
      %add3A_1118 = vector.broadcast %add3A_1117 : f32 to vector<16xf32>
      %add3A_1119 = arith.addf %mul3A_1116, %add3A_1118 : vector<16xf32>
      %mul3A_1120 = arith.mulf %add3A_1115, %mul3A_1090 : vector<16xf32>
      %add3A_1121 = arith.constant 0.106674872 : f32
      %add3A_1122 = vector.broadcast %add3A_1121 : f32 to vector<16xf32>
      %add3A_1123 = arith.addf %mul3A_1120, %add3A_1122 : vector<16xf32>
      %mul3A_1124 = arith.mulf %add3A_1119, %mul3A_1091 : vector<16xf32>
      %add3A_1125 = arith.constant 0.106674872 : f32
      %add3A_1126 = vector.broadcast %add3A_1125 : f32 to vector<16xf32>
      %add3A_1127 = arith.addf %mul3A_1124, %add3A_1126 : vector<16xf32>
      %mul3A_1128 = arith.mulf %add3A_1123, %mul3A_1090 : vector<16xf32>
      %add3A_1129 = arith.constant -0.142111063 : f32
      %add3A_1130 = vector.broadcast %add3A_1129 : f32 to vector<16xf32>
      %add3A_1131 = arith.addf %mul3A_1128, %add3A_1130 : vector<16xf32>
      %mul3A_1132 = arith.mulf %add3A_1127, %mul3A_1091 : vector<16xf32>
      %add3A_1133 = arith.constant -0.142111063 : f32
      %add3A_1134 = vector.broadcast %add3A_1133 : f32 to vector<16xf32>
      %add3A_1135 = arith.addf %mul3A_1132, %add3A_1134 : vector<16xf32>
      %mul3A_1136 = arith.mulf %add3A_1131, %mul3A_1090 : vector<16xf32>
      %add3A_1137 = arith.constant 0.199936941 : f32
      %add3A_1138 = vector.broadcast %add3A_1137 : f32 to vector<16xf32>
      %add3A_1139 = arith.addf %mul3A_1136, %add3A_1138 : vector<16xf32>
      %mul3A_1140 = arith.mulf %add3A_1135, %mul3A_1091 : vector<16xf32>
      %add3A_1141 = arith.constant 0.199936941 : f32
      %add3A_1142 = vector.broadcast %add3A_1141 : f32 to vector<16xf32>
      %add3A_1143 = arith.addf %mul3A_1140, %add3A_1142 : vector<16xf32>
      %mul3A_1144 = arith.mulf %add3A_1139, %mul3A_1090 : vector<16xf32>
      %add3A_1145 = arith.constant -0.333331376 : f32
      %add3A_1146 = vector.broadcast %add3A_1145 : f32 to vector<16xf32>
      %add3A_1147 = arith.addf %mul3A_1144, %add3A_1146 : vector<16xf32>
      %mul3A_1148 = arith.mulf %add3A_1143, %mul3A_1091 : vector<16xf32>
      %add3A_1149 = arith.constant -0.333331376 : f32
      %add3A_1150 = vector.broadcast %add3A_1149 : f32 to vector<16xf32>
      %add3A_1151 = arith.addf %mul3A_1148, %add3A_1150 : vector<16xf32>
      %mul3A_1152 = arith.mulf %add3A_1147, %mul3A_1090 : vector<16xf32>
      %add3A_1153 = arith.constant 1.000000e+00 : f32
      %add3A_1154 = vector.broadcast %add3A_1153 : f32 to vector<16xf32>
      %add3A_1155 = arith.addf %mul3A_1152, %add3A_1154 : vector<16xf32>
      %mul3A_1156 = arith.mulf %add3A_1151, %mul3A_1091 : vector<16xf32>
      %add3A_1157 = arith.constant 1.000000e+00 : f32
      %add3A_1158 = vector.broadcast %add3A_1157 : f32 to vector<16xf32>
      %add3A_1159 = arith.addf %mul3A_1156, %add3A_1158 : vector<16xf32>
      %mul3A_1160 = arith.mulf %min3A_1083, %add3A_1155 : vector<16xf32>
      %mul3A_1161 = arith.mulf %div3A_1089, %add3A_1159 : vector<16xf32>
      %sub3A_1162 = arith.constant 1.57079637 : f32
      %sub3A_1163 = vector.broadcast %sub3A_1162 : f32 to vector<16xf32>
      %sub3A_1164 = arith.subf %sub3A_1163, %mul3A_1161 : vector<16xf32>
      %le3A_1165 = arith.constant 1.000000e+00 : f32
      %le3A_1166 = vector.broadcast %le3A_1165 : f32 to vector<16xf32>
      %le3A_1167 = arith.cmpf ole, %div3A_1080, %le3A_1166 : vector<16xf32>
      %select_n3A_1168 = arith.select %le3A_1167, %mul3A_1160, %sub3A_1164 : vector<16xi1>, vector<16xf32>
      %sub3A_1169 = arith.subf %get3A_1010, %get3A_1000 : vector<16xf32>
      %sub3A_1170 = arith.subf %get3A_1015, %get3A_1005 : vector<16xf32>
      %add3A_1171 = arith.constant 1.000000e-07 : f32
      %add3A_1172 = vector.broadcast %add3A_1171 : f32 to vector<16xf32>
      %add3A_1173 = arith.addf %sub3A_1170, %add3A_1172 : vector<16xf32>
      %div3A_1174 = arith.divf %sub3A_1169, %add3A_1173 : vector<16xf32>
      %min3A_1175 = arith.constant 1.000000e+00 : f32
      %min3A_1176 = vector.broadcast %min3A_1175 : f32 to vector<16xf32>
      %min3A_1177 = arith.minimumf %div3A_1174, %min3A_1176 : vector<16xf32>
      %max3A_1178 = arith.constant 1.000000e+00 : f32
      %max3A_1179 = vector.broadcast %max3A_1178 : f32 to vector<16xf32>
      %max3A_1180 = arith.maximumf %div3A_1174, %max3A_1179 : vector<16xf32>
      %div3A_1181 = arith.constant 1.000000e+00 : f32
      %div3A_1182 = vector.broadcast %div3A_1181 : f32 to vector<16xf32>
      %div3A_1183 = arith.divf %div3A_1182, %max3A_1180 : vector<16xf32>
      %mul3A_1184 = arith.mulf %min3A_1177, %min3A_1177 : vector<16xf32>
      %mul3A_1185 = arith.mulf %div3A_1183, %div3A_1183 : vector<16xf32>
      %mul3A_1186 = arith.constant 0.00293276203 : f32
      %mul3A_1187 = vector.broadcast %mul3A_1186 : f32 to vector<16xf32>
      %mul3A_1188 = arith.mulf %mul3A_1187, %mul3A_1184 : vector<16xf32>
      %add3A_1189 = arith.constant -0.0164131913 : f32
      %add3A_1190 = vector.broadcast %add3A_1189 : f32 to vector<16xf32>
      %add3A_1191 = arith.addf %mul3A_1188, %add3A_1190 : vector<16xf32>
      %mul3A_1192 = arith.constant 0.00293276203 : f32
      %mul3A_1193 = vector.broadcast %mul3A_1192 : f32 to vector<16xf32>
      %mul3A_1194 = arith.mulf %mul3A_1193, %mul3A_1185 : vector<16xf32>
      %add3A_1195 = arith.constant -0.0164131913 : f32
      %add3A_1196 = vector.broadcast %add3A_1195 : f32 to vector<16xf32>
      %add3A_1197 = arith.addf %mul3A_1194, %add3A_1196 : vector<16xf32>
      %mul3A_1198 = arith.mulf %add3A_1191, %mul3A_1184 : vector<16xf32>
      %add3A_1199 = arith.constant 0.0432782434 : f32
      %add3A_1200 = vector.broadcast %add3A_1199 : f32 to vector<16xf32>
      %add3A_1201 = arith.addf %mul3A_1198, %add3A_1200 : vector<16xf32>
      %mul3A_1202 = arith.mulf %add3A_1197, %mul3A_1185 : vector<16xf32>
      %add3A_1203 = arith.constant 0.0432782434 : f32
      %add3A_1204 = vector.broadcast %add3A_1203 : f32 to vector<16xf32>
      %add3A_1205 = arith.addf %mul3A_1202, %add3A_1204 : vector<16xf32>
      %mul3A_1206 = arith.mulf %add3A_1201, %mul3A_1184 : vector<16xf32>
      %add3A_1207 = arith.constant -0.0755690038 : f32
      %add3A_1208 = vector.broadcast %add3A_1207 : f32 to vector<16xf32>
      %add3A_1209 = arith.addf %mul3A_1206, %add3A_1208 : vector<16xf32>
      %mul3A_1210 = arith.mulf %add3A_1205, %mul3A_1185 : vector<16xf32>
      %add3A_1211 = arith.constant -0.0755690038 : f32
      %add3A_1212 = vector.broadcast %add3A_1211 : f32 to vector<16xf32>
      %add3A_1213 = arith.addf %mul3A_1210, %add3A_1212 : vector<16xf32>
      %mul3A_1214 = arith.mulf %add3A_1209, %mul3A_1184 : vector<16xf32>
      %add3A_1215 = arith.constant 0.106674872 : f32
      %add3A_1216 = vector.broadcast %add3A_1215 : f32 to vector<16xf32>
      %add3A_1217 = arith.addf %mul3A_1214, %add3A_1216 : vector<16xf32>
      %mul3A_1218 = arith.mulf %add3A_1213, %mul3A_1185 : vector<16xf32>
      %add3A_1219 = arith.constant 0.106674872 : f32
      %add3A_1220 = vector.broadcast %add3A_1219 : f32 to vector<16xf32>
      %add3A_1221 = arith.addf %mul3A_1218, %add3A_1220 : vector<16xf32>
      %mul3A_1222 = arith.mulf %add3A_1217, %mul3A_1184 : vector<16xf32>
      %add3A_1223 = arith.constant -0.142111063 : f32
      %add3A_1224 = vector.broadcast %add3A_1223 : f32 to vector<16xf32>
      %add3A_1225 = arith.addf %mul3A_1222, %add3A_1224 : vector<16xf32>
      %mul3A_1226 = arith.mulf %add3A_1221, %mul3A_1185 : vector<16xf32>
      %add3A_1227 = arith.constant -0.142111063 : f32
      %add3A_1228 = vector.broadcast %add3A_1227 : f32 to vector<16xf32>
      %add3A_1229 = arith.addf %mul3A_1226, %add3A_1228 : vector<16xf32>
      %mul3A_1230 = arith.mulf %add3A_1225, %mul3A_1184 : vector<16xf32>
      %add3A_1231 = arith.constant 0.199936941 : f32
      %add3A_1232 = vector.broadcast %add3A_1231 : f32 to vector<16xf32>
      %add3A_1233 = arith.addf %mul3A_1230, %add3A_1232 : vector<16xf32>
      %mul3A_1234 = arith.mulf %add3A_1229, %mul3A_1185 : vector<16xf32>
      %add3A_1235 = arith.constant 0.199936941 : f32
      %add3A_1236 = vector.broadcast %add3A_1235 : f32 to vector<16xf32>
      %add3A_1237 = arith.addf %mul3A_1234, %add3A_1236 : vector<16xf32>
      %mul3A_1238 = arith.mulf %add3A_1233, %mul3A_1184 : vector<16xf32>
      %add3A_1239 = arith.constant -0.333331376 : f32
      %add3A_1240 = vector.broadcast %add3A_1239 : f32 to vector<16xf32>
      %add3A_1241 = arith.addf %mul3A_1238, %add3A_1240 : vector<16xf32>
      %mul3A_1242 = arith.mulf %add3A_1237, %mul3A_1185 : vector<16xf32>
      %add3A_1243 = arith.constant -0.333331376 : f32
      %add3A_1244 = vector.broadcast %add3A_1243 : f32 to vector<16xf32>
      %add3A_1245 = arith.addf %mul3A_1242, %add3A_1244 : vector<16xf32>
      %mul3A_1246 = arith.mulf %add3A_1241, %mul3A_1184 : vector<16xf32>
      %add3A_1247 = arith.constant 1.000000e+00 : f32
      %add3A_1248 = vector.broadcast %add3A_1247 : f32 to vector<16xf32>
      %add3A_1249 = arith.addf %mul3A_1246, %add3A_1248 : vector<16xf32>
      %mul3A_1250 = arith.mulf %add3A_1245, %mul3A_1185 : vector<16xf32>
      %add3A_1251 = arith.constant 1.000000e+00 : f32
      %add3A_1252 = vector.broadcast %add3A_1251 : f32 to vector<16xf32>
      %add3A_1253 = arith.addf %mul3A_1250, %add3A_1252 : vector<16xf32>
      %mul3A_1254 = arith.mulf %min3A_1177, %add3A_1249 : vector<16xf32>
      %mul3A_1255 = arith.mulf %div3A_1183, %add3A_1253 : vector<16xf32>
      %sub3A_1256 = arith.constant 1.57079637 : f32
      %sub3A_1257 = vector.broadcast %sub3A_1256 : f32 to vector<16xf32>
      %sub3A_1258 = arith.subf %sub3A_1257, %mul3A_1255 : vector<16xf32>
      %le3A_1259 = arith.constant 1.000000e+00 : f32
      %le3A_1260 = vector.broadcast %le3A_1259 : f32 to vector<16xf32>
      %le3A_1261 = arith.cmpf ole, %div3A_1174, %le3A_1260 : vector<16xf32>
      %select_n3A_1262 = arith.select %le3A_1261, %mul3A_1254, %sub3A_1258 : vector<16xi1>, vector<16xf32>
      %sub3A_1263 = arith.subf %select_n3A_1168, %select_n3A_1262 : vector<16xf32>
      %mul3A_1264 = arith.constant 0.405284733 : f32
      %mul3A_1265 = vector.broadcast %mul3A_1264 : f32 to vector<16xf32>
      %mul3A_1266 = arith.mulf %mul3A_1265, %sub3A_1263 : vector<16xf32>
      %mul3A_1267 = arith.mulf %mul3A_1266, %sub3A_1263 : vector<16xf32>
      %sub3A_1268 = arith.subf %mul3A_1267, %div3A_1048 : vector<16xf32>
      %add3A_1269 = arith.constant 1.000000e+00 : f32
      %add3A_1270 = vector.broadcast %add3A_1269 : f32 to vector<16xf32>
      %add3A_1271 = arith.addf %sub3A_1268, %add3A_1270 : vector<16xf32>
      %add3A_1272 = arith.constant 1.000000e-07 : f32
      %add3A_1273 = vector.broadcast %add3A_1272 : f32 to vector<16xf32>
      %add3A_1274 = arith.addf %add3A_1271, %add3A_1273 : vector<16xf32>
      %div3A_1275 = arith.divf %mul3A_1267, %add3A_1274 : vector<16xf32>
      %mul3A_1276 = arith.mulf %div3A_1275, %mul3A_1267 : vector<16xf32>
      %sub3A_1277 = arith.subf %sub3A_1074, %mul3A_1276 : vector<16xf32>
      %sub3A_1278 = arith.constant 1.000000e+00 : f32
      %sub3A_1279 = vector.broadcast %sub3A_1278 : f32 to vector<16xf32>
      %sub3A_1280 = arith.subf %sub3A_1279, %sub3A_1277 : vector<16xf32>
      %mul3A_1281 = arith.mulf %sub3A_1280, %get3A_1020 : vector<16xf32>
      %add3A_1282 = arith.addf %get3A_1023, %mul3A_1281 : vector<16xf32>
      %swap3A_1283 = arith.constant 0 : index
      %swap3A_1284 = tpu.vector_load %arg5[%swap3A_1283] {strides = array<i32>} : memref<16xf32, #tpu.memory_space<vmem>>, vector<16xf32>,
      %swap3A_1285 = vector.shape_cast %swap3A_1284 : vector<16xf32> to vector<16xf32>
      %swap3A_1286 = vector.shape_cast %add3A_1282 : vector<16xf32> to vector<16xf32>
      tpu.vector_store %arg5[%swap3A_1283], %swap3A_1286 {strides = array<i32>} : memref<16xf32, #tpu.memory_space<vmem>>, vector<16xf32>,
      %scan3A_1287 = arith.constant 0 : i32
      scf.yield %scan3A_1287 : i32
    }
    %scan3A_30 = arith.constant 132 : i32
    "tpu.region"() ({
      %run_scoped3A = tpu.sem_alloc : memref<!tpu.dma_semaphore, #tpu.memory_space<semaphore_mem>>
      %dma_start3A = arith.constant 0 : i32
      %dma_start3A_31 = tpu.memref_slice %arg3[%add3A, %dma_start3A] : memref<32x16xf32, #tpu.memory_space<hbm>> -> memref<1x16xf32, #tpu.memory_space<hbm>>
      %dma_start3A_32 = tpu.memref_squeeze %dma_start3A_31 : memref<1x16xf32, #tpu.memory_space<hbm>> -> memref<16xf32, #tpu.memory_space<hbm>>
      %dma_start3A_33 = arith.constant 0 : i32
      %dma_start3A_34 = tpu.memref_slice %arg3[%add3A, %dma_start3A_33] : memref<32x16xf32, #tpu.memory_space<hbm>> -> memref<1x16xf32, #tpu.memory_space<hbm>>
      %dma_start3A_35 = tpu.memref_squeeze %dma_start3A_34 : memref<1x16xf32, #tpu.memory_space<hbm>> -> memref<16xf32, #tpu.memory_space<hbm>>
      tpu.enqueue_dma source(%arg5 : memref<16xf32, #tpu.memory_space<vmem>>) target(%dma_start3A_35 : memref<16xf32, #tpu.memory_space<hbm>>) target_semaphore(%run_scoped3A : memref<!tpu.dma_semaphore, #tpu.memory_space<semaphore_mem>>)
      %dma_wait3A = arith.constant 0 : i32
      %dma_wait3A_36 = tpu.memref_slice %arg3[%add3A, %dma_wait3A] : memref<32x16xf32, #tpu.memory_space<hbm>> -> memref<1x16xf32, #tpu.memory_space<hbm>>
      %dma_wait3A_37 = tpu.memref_squeeze %dma_wait3A_36 : memref<1x16xf32, #tpu.memory_space<hbm>> -> memref<16xf32, #tpu.memory_space<hbm>>
      %dma_wait3A_38 = arith.constant 0 : i32
      %dma_wait3A_39 = tpu.memref_slice %arg3[%add3A, %dma_wait3A_38] : memref<32x16xf32, #tpu.memory_space<hbm>> -> memref<1x16xf32, #tpu.memory_space<hbm>>
      %dma_wait3A_40 = tpu.memref_squeeze %dma_wait3A_39 : memref<1x16xf32, #tpu.memory_space<hbm>> -> memref<16xf32, #tpu.memory_space<hbm>>
      tpu.wait_dma2 semaphore(%run_scoped3A : memref<!tpu.dma_semaphore, #tpu.memory_space<semaphore_mem>>) src(%arg5 : memref<16xf32, #tpu.memory_space<vmem>>) dst(%dma_wait3A_40 : memref<16xf32, #tpu.memory_space<hbm>>)
      tpu.yield
    }) : () -> ()
    return
  }
}

module attributes {stable_mosaic.version = 14 : i64} {
  func.func @_bce_body(%arg0: i32, %arg1: memref<2x8400x80xf32, #tpu.memory_space<vmem>>, %arg2: memref<2x8400x80xf32, #tpu.memory_space<vmem>>, %arg3: memref<1x1xf32, #tpu.memory_space<smem>>, %arg4: memref<1x80xf32, #tpu.memory_space<vmem>>) attributes {dimension_semantics = [#tpu.dimension_semantics<arbitrary>], iteration_bounds = array<i64: 4>, scalar_prefetch = 0 : i64, scratch_operands = 1 : i64, tpu.core_type = #tpu.core_type<tc>, window_params = [{transform_indices = @transform_0, window_bounds = array<i64: 2, 8400, 80>}, {transform_indices = @transform_1, window_bounds = array<i64: 2, 8400, 80>}, {transform_indices = @transform_2, window_bounds = array<i64: 1, 1>}]} {
    %get3A = arith.constant 0 : index
    %get3A_0 = arith.constant 0 : index
    %get3A_1 = arith.constant 0 : index
    %get3A_2 = vector.load %arg1[%get3A, %get3A_0, %get3A_1] : memref<2x8400x80xf32, #tpu.memory_space<vmem>>, vector<2x8400x80xf32>
    %get3A_3 = arith.constant 0 : index
    %get3A_4 = arith.constant 0 : index
    %get3A_5 = arith.constant 0 : index
    %get3A_6 = vector.load %arg2[%get3A_3, %get3A_4, %get3A_5] : memref<2x8400x80xf32, #tpu.memory_space<vmem>>, vector<2x8400x80xf32>
    %mul3A = arith.constant 1.44269502 : f32
    %mul3A_7 = vector.broadcast %mul3A : f32 to vector<2x8400x80xf32>
    %mul3A_8 = arith.mulf %get3A_2, %mul3A_7 : vector<2x8400x80xf32>
    %exp23A = math.exp2 %mul3A_8 : vector<2x8400x80xf32>
    %add3A = arith.constant 1.000000e+00 : f32
    %add3A_9 = vector.broadcast %add3A : f32 to vector<2x8400x80xf32>
    %add3A_10 = arith.addf %add3A_9, %exp23A : vector<2x8400x80xf32>
    %log3A = math.log %add3A_10 : vector<2x8400x80xf32>
    %log3A_11 = arith.constant 2.000000e+00 : f32
    %log3A_12 = math.log %log3A_11 : f32
    %div3A = vector.broadcast %log3A_12 : f32 to vector<2x8400x80xf32>
    %div3A_13 = arith.divf %log3A, %div3A : vector<2x8400x80xf32>
    %mul3A_14 = arith.constant 0.693147182 : f32
    %mul3A_15 = vector.broadcast %mul3A_14 : f32 to vector<2x8400x80xf32>
    %mul3A_16 = arith.mulf %div3A_13, %mul3A_15 : vector<2x8400x80xf32>
    %mul3A_17 = arith.mulf %get3A_2, %get3A_6 : vector<2x8400x80xf32>
    %sub3A = arith.subf %mul3A_16, %mul3A_17 : vector<2x8400x80xf32>
    %reduce_sum3A = arith.constant dense<0.000000e+00> : vector<80xf32>
    %reduce_sum3A_18 = vector.multi_reduction <add>, %sub3A, %reduce_sum3A [0, 1] : vector<2x8400x80xf32> to vector<80xf32>
    %eq3A = arith.constant 0 : i32
    %eq3A_19 = arith.cmpi eq, %arg0, %eq3A : i32
    %convert_element_type3A = arith.extui %eq3A_19 : i1 to i32
    %cond3A = arith.constant 0 : i32
    %cond3A_20 = arith.cmpi ne, %convert_element_type3A, %cond3A : i32
    scf.if %cond3A_20 {
      %swap3A = arith.constant 0 : index
      %swap3A_30 = arith.constant 0 : index
      %swap3A_31 = vector.load %arg4[%swap3A, %swap3A_30] : memref<1x80xf32, #tpu.memory_space<vmem>>, vector<1x80xf32>
      %swap3A_32 = vector.shape_cast %swap3A_31 : vector<1x80xf32> to vector<80xf32>
      %swap3A_33 = vector.shape_cast %reduce_sum3A_18 : vector<80xf32> to vector<1x80xf32>
      tpu.vector_store %arg4[%swap3A, %swap3A_30], %swap3A_33 {strides = array<i32>} : memref<1x80xf32, #tpu.memory_space<vmem>>, vector<1x80xf32>,
    } else {
    }
    %gt3A = arith.constant 0 : i32
    %gt3A_21 = arith.cmpi sgt, %arg0, %gt3A : i32
    %convert_element_type3A_22 = arith.extui %gt3A_21 : i1 to i32
    %cond3A_23 = arith.constant 0 : i32
    %cond3A_24 = arith.cmpi ne, %convert_element_type3A_22, %cond3A_23 : i32
    scf.if %cond3A_24 {
      %get3A_30 = arith.constant 0 : index
      %get3A_31 = arith.constant 0 : index
      %get3A_32 = vector.load %arg4[%get3A_30, %get3A_31] : memref<1x80xf32, #tpu.memory_space<vmem>>, vector<1x80xf32>
      %get3A_33 = vector.shape_cast %get3A_32 : vector<1x80xf32> to vector<80xf32>
      %add3A_34 = arith.addf %get3A_33, %reduce_sum3A_18 : vector<80xf32>
      %swap3A = arith.constant 0 : index
      %swap3A_35 = arith.constant 0 : index
      %swap3A_36 = vector.load %arg4[%swap3A, %swap3A_35] : memref<1x80xf32, #tpu.memory_space<vmem>>, vector<1x80xf32>
      %swap3A_37 = vector.shape_cast %swap3A_36 : vector<1x80xf32> to vector<80xf32>
      %swap3A_38 = vector.shape_cast %add3A_34 : vector<80xf32> to vector<1x80xf32>
      tpu.vector_store %arg4[%swap3A, %swap3A_35], %swap3A_38 {strides = array<i32>} : memref<1x80xf32, #tpu.memory_space<vmem>>, vector<1x80xf32>,
    } else {
    }
    %eq3A_25 = arith.constant 3 : i32
    %eq3A_26 = arith.cmpi eq, %arg0, %eq3A_25 : i32
    %convert_element_type3A_27 = arith.extui %eq3A_26 : i1 to i32
    %cond3A_28 = arith.constant 0 : i32
    %cond3A_29 = arith.cmpi ne, %convert_element_type3A_27, %cond3A_28 : i32
    scf.if %cond3A_29 {
      %get3A_30 = arith.constant 0 : index
      %get3A_31 = arith.constant 0 : index
      %get3A_32 = vector.load %arg4[%get3A_30, %get3A_31] : memref<1x80xf32, #tpu.memory_space<vmem>>, vector<1x80xf32>
      %get3A_33 = vector.shape_cast %get3A_32 : vector<1x80xf32> to vector<80xf32>
      %reduce_sum3A_34 = vector.shape_cast %get3A_33 : vector<80xf32> to vector<1x80xf32>
      %reduce_sum3A_35 = arith.constant dense<0.000000e+00> : vector<1xf32>
      %reduce_sum3A_36 = vector.multi_reduction <add>, %reduce_sum3A_34, %reduce_sum3A_35 [1] : vector<1x80xf32> to vector<1xf32>
      %reduce_sum3A_37 = vector.shape_cast %reduce_sum3A_36 : vector<1xf32> to vector<1x1xf32>
      %reduce_sum3A_38 = vector.extract %reduce_sum3A_37[0, 0] : f32 from vector<1x1xf32>
      %swap3A = arith.constant 0 : index
      %swap3A_39 = arith.constant 0 : index
      %swap3A_40 = memref.load %arg3[%swap3A, %swap3A_39] : memref<1x1xf32, #tpu.memory_space<smem>>
      memref.store %reduce_sum3A_38, %arg3[%swap3A, %swap3A_39] : memref<1x1xf32, #tpu.memory_space<smem>>
    } else {
    }
    return
  }
  func.func @transform_0(%arg0: i32) -> (i32, i32, i32) {
    %c0_i32 = arith.constant 0 : i32
    %c0_i32_0 = arith.constant 0 : i32
    %c0_i32_1 = arith.constant 0 : i32
    return %arg0, %c0_i32, %c0_i32_0 : i32, i32, i32
  }
  func.func @transform_1(%arg0: i32) -> (i32, i32, i32) {
    %c0_i32 = arith.constant 0 : i32
    %c0_i32_0 = arith.constant 0 : i32
    %c0_i32_1 = arith.constant 0 : i32
    return %arg0, %c0_i32, %c0_i32_0 : i32, i32, i32
  }
  func.func @transform_2(%arg0: i32) -> (i32, i32) {
    %c0_i32 = arith.constant 0 : i32
    %c0_i32_0 = arith.constant 0 : i32
    %c0_i32_1 = arith.constant 0 : i32
    return %c0_i32, %c0_i32_0 : i32, i32
  }
}

</mosaic_0001>

<sc_bundles>
// kernel: kernel.4.cloned.1.call-start
scs
__scs_entry_jumppad:
0x0: {  	(pc) =	sbr.rel $0x88, $3  }
0x1: {  	(tag) =	ssettag $0x0;
	lr =	simm.s32 $0x1  }
0x2: {  	[smem:$0x3F9A] =	sst lr;
	_ =	strace $0xD0000000  }
0x3: {  	_ = 	snop  }
0x4: {  	_ = 	snop  }
0x5: {  	_ = 	snop  }
0x6: {  	_ = 	snop  }
0x7: {  	_ = 	snop  }
__scs_overlays_trampoline_lowered:
0x8: {  	[smem:$0x3FA9] =	sst s0  }
0x9: {  	[smem:$0x3FAA] =	sst s1  }
0xa: {  	[smem:$0x3FAB] =	sst s2  }
0xb: {  	[smem:$0x3FAC] =	sst s3  }
0xc: {  	[smem:$0x3FAD] =	sst s4  }
0xd: {  	[smem:$0x3FAE] =	sst s5  }
0xe: {  	[smem:$0x3FAF] =	sst s6  }
0xf: {  	[smem:$0x3FB0] =	sst s7  }
0x10: {  	[smem:$0x3FB1] =	sst s8  }
0x11: {  	[smem:$0x3FB2] =	sst s9;
	s0 =	simm.s32 @!p0 $0x0  }
0x12: {  	s1 =	sld [smem:$0x3F98];
	s0 =	simm.s32 @p0 $0x1  }
0x13: {  	[smem:$0x3FB3] =	sst s0;
	s0 =	simm.s32 @!p1 $0x0  }
0x14: {  	s2 =	sld [smem:$0x3F97];
	s0 =	simm.s32 @p1 $0x1  }
0x15: {  	[smem:$0x3FB4] =	sst s0;
	s0 =	simm.s32 @!p2 $0x0  }
0x16: {  	s3 =	sld [smem:$0x3FDB];
	s0 =	simm.s32 @p2 $0x1  }
0x17: {  	s4 =	simm.s32 $0x1BF5;
	[smem:$0x3FB6] =	sst s0  }
0x18: {  	s0 =	sld [smem:$0x3F99];
	_ =	swait.ge [sflag:s4], $0x0  }
0x19: {  	s7 =	sld [smem:$0x3F9A]  }
0x1a: {  	s8 =	sadd.s32 $0xFFFFE003, lr  }
0x1b: {  	s9 =	sadd.s32 $0xFFFFFEF7, lr;
	s5 =	simm.s32 $0xFFFFFFFF;
	p2 =	slt.u32 s8, $0xFFFFF086  }
0x1c: {  	p1 =	slt.u32 s9, $0xF7A;
	s5 =	simm.s32 @!p2 $0x0  }
0x1d: {  	s5 =	simm.s32 @p1 $0x1;
	p0 =	seq.s32 s7, s2  }
0x1e: {  	s7 =	smul.u32 @!p0 $0xF7A, s2;
	p2 =	seq.s32 @!p0 s5, $0x0  }
0x1f: {  	s9 =	smul.u32 $0xF7A, s1;
	s8 =	simm.s32 @!p0 $0x1BF5;
	p2 =	por !p2, p0  }
0x20: {  	[sflag:s8] =	ssyncset.s32 @!p0 $0xFFFFF086;
	s6 =	sadd.s32 @!p0 s3, s7;
	s7 =	simm.s32 @!p0 $0x108  }
0x21: {  	s3 =	sadd.s32 s3, s9;
	s6 =	sadd.s32 @!p0 $0x88, s6;
	s7 =	simm.s32 @p2 $0x1082  }
0x22: {  	[simem:s7], [sflag:s8] =	dma.local @!p0 [hbm:s6], $0xF7A  }
0x23: {  	s9 =	sor.u32 $0xD0000000, s2;
	s6 =	simm.s32 $0x108;
	_ =	swait.ge @!p0 [sflag:s8], $0x0  }
0x24: {  	s3 =	sadd.s32 $0x88, s3;
	s6 =	simm.s32 @!p1 $0x1082;
	[sflag:s4] =	ssyncset.s32 $0xFFFFF086  }
0x25: {  	[simem:s6], [sflag:s4] =	dma.local [hbm:s3], $0xF7A  }
0x26: {  	[smem:$0x3F9A] =	sst s1;
	(tag) =	ssettag s2;
	_ =	strace s9  }
0x27: {  	s1 =	sld [smem:$0x3FAA]  }
0x28: {  	s2 =	sld [smem:$0x3FAB]  }
0x29: {  	s4 =	sld [smem:$0x3FAD]  }
0x2a: {  	p0 =	seq.s32 s5, $0x0;
	s5 =	sld [smem:$0x3FAE]  }
0x2b: {  	s6 =	sld [smem:$0x3FAF]  }
0x2c: {  	s7 =	sld [smem:$0x3FB0]  }
0x2d: {  	s3 =	simm.s32 $0x108;
	s8 =	sld [smem:$0x3FB1]  }
0x2e: {  	s3 =	simm.s32 @!p0 $0x1082;
	s9 =	sld [smem:$0x3FB2]  }
0x2f: {  	lr =	sadd.s32 s0, s3;
	s0 =	sld [smem:$0x3FA9]  }
0x30: {  	s3 =	sld [smem:$0x3FAC]  }
0x31: {  	[smem:$0x3FB5] =	sst s10  }
0x32: {  	s10 =	sld [smem:$0x3FB3];
	_ =	sdelay $0x3  }
0x33: {  	p0 =	seq.s32 s10, $0x1;
	s10 =	sld [smem:$0x3FB5];
	_ =	sdelay $0x3  }
0x34: {  	[smem:$0x3FB5] =	sst s10  }
0x35: {  	s10 =	sld [smem:$0x3FB4];
	_ =	sdelay $0x3  }
0x36: {  	p1 =	seq.s32 s10, $0x1;
	s10 =	sld [smem:$0x3FB5];
	_ =	sdelay $0x3  }
0x37: {  	[smem:$0x3FB5] =	sst s10  }
0x38: {  	s10 =	sld [smem:$0x3FB6]  }
0x39: {  	_ = 	snop;
	(pc) =	sbr.ind lr, $3  }
0x3a: {  	_ = 	snop  }
0x3b: {  	_ = 	snop  }
0x3c: {  	p2 =	seq.s32 s10, $0x1;
	s10 =	sld [smem:$0x3FB5]  }
0x3d: {  	_ =	shalt  }
0x3e: {  	_ =	shalt  }
0x3f: {  	_ =	shalt  }
0x40: {  	_ =	shalt  }
0x41: {  	_ =	shalt  }
0x42: {  	_ =	shalt  }
0x43: {  	_ =	shalt  }
0x44: {  	_ =	shalt  }
0x45: {  	_ =	shalt  }
0x46: {  	_ =	shalt  }
0x47: {  	_ =	shalt  }
0x48: {  	_ =	shalt  }
0x49: {  	_ =	shalt  }
0x4a: {  	_ =	shalt  }
0x4b: {  	_ =	shalt  }
0x4c: {  	_ =	shalt  }
0x4d: {  	_ =	shalt  }
0x4e: {  	_ =	shalt  }
0x4f: {  	_ =	shalt  }
0x50: {  	_ =	shalt  }
0x51: {  	_ =	shalt  }
0x52: {  	_ =	shalt  }
0x53: {  	_ =	shalt  }
0x54: {  	_ =	shalt  }
0x55: {  	_ =	shalt  }
0x56: {  	_ =	shalt  }
0x57: {  	_ =	shalt  }
0x58: {  	_ =	shalt  }
0x59: {  	_ =	shalt  }
0x5a: {  	_ =	shalt  }
0x5b: {  	_ =	shalt  }
0x5c: {  	_ =	shalt  }
0x5d: {  	_ =	shalt  }
0x5e: {  	_ =	shalt  }
0x5f: {  	_ =	shalt  }
0x60: {  	_ =	shalt  }
0x61: {  	_ =	shalt  }
0x62: {  	_ =	shalt  }
0x63: {  	_ =	shalt  }
0x64: {  	_ =	shalt  }
0x65: {  	_ =	shalt  }
0x66: {  	_ =	shalt  }
0x67: {  	_ =	shalt  }
0x68: {  	_ =	shalt  }
0x69: {  	_ =	shalt  }
0x6a: {  	_ =	shalt  }
0x6b: {  	_ =	shalt  }
0x6c: {  	_ =	shalt  }
0x6d: {  	_ =	shalt  }
0x6e: {  	_ =	shalt  }
0x6f: {  	_ =	shalt  }
0x70: {  	_ =	shalt  }
0x71: {  	_ =	shalt  }
0x72: {  	_ =	shalt  }
0x73: {  	_ =	shalt  }
0x74: {  	_ =	shalt  }
0x75: {  	_ =	shalt  }
0x76: {  	_ =	shalt  }
0x77: {  	_ =	shalt  }
0x78: {  	_ =	shalt  }
0x79: {  	_ =	shalt  }
0x7a: {  	_ =	shalt  }
0x7b: {  	_ =	shalt  }
0x7c: {  	_ =	shalt  }
0x7d: {  	_ =	shalt  }
0x7e: {  	_ =	shalt  }
0x7f: {  	_ =	shalt  }
0x80: {  	_ =	shalt  }
0x81: {  	_ =	shalt  }
0x82: {  	_ =	shalt  }
0x83: {  	_ =	shalt  }
0x84: {  	_ =	shalt  }
0x85: {  	_ =	shalt  }
0x86: {  	_ =	shalt  }
0x87: {  	_ =	shalt  }
.Lfunc_end0:
.L_simem_size_0:
called_computation_lowered:
.L_overlay_start_0:
0x88: {  	s2 =	sld [smem:$0x3FD9]  }
0x89: {  	s3 =	sld [smem:$0x3FFE];
	_ =	sdelay $0x1  }
0x8a: {  	s1 =	srdreg.scid  }
0x8b: {  	s0 =	sand.u32 $0x1, s1  }
0x8c: {  	s16 =	sshll.u32 s0, $0xA;
	s2 =	sadd.s32 s3, s2  }
0x8d: {  	s2 =	sadd.s32 s2, s16  }
0x8e: {  	[smem:$0x3FC1] =	sst s2  }
0x8f: {  	_ = 	snop  }
0x90: {  	(tm) =	ssettm $0x1  }
0x91: {  	s17 =	sld [smem:$0x3FFB];
	_ =	sdelay $0x3  }
0x92: {  	_ =	strace s17  }
0x93: {  	s2 =	sld [smem:$0x3FFC];
	_ =	sdelay $0x3  }
0x94: {  	_ =	strace s2  }
0x95: {  	s2 =	sld [smem:$0x3FFD];
	_ =	sdelay $0x3  }
0x96: {  	_ =	strace s2  }
0x97: {  	_ =	strace $0x8FFFFFFF  }
0x98: {  	s18 =	sld [smem:$0x3FDB];
	_ =	sdelay $0x1  }
0x99: {  	s19 =	simm.s32 $_scs_section_size  }
0x9a: {  	s4 =	simm.s32 $_size__tile_overlayer_lowered;
	s5 =	simm.s32 $_tile_overlayer_lowered  }
0x9b: {  	s22 =	simm.s32 $0x1BFF;
	s21 =	sshll.u32 s5, $0x1;
	s2 =	sadd.s32 s19, s18  }
0x9c: {  	s6 =	simm.s32 $0x0;
	s20 =	sshll.u32 s4, $0x1;
	s4 =	sadd.s32 s21, s2  }
0x9d: {  	[timem:s6], [sflag:s22] =	dma.local [hbm:s4], s20  }
0x9e: {  	_ =	swait.ge [sflag:s22], s20  }
0x9f: {  	s3 =	ssub.s32 $0x0, s20;
	[sflag:s22] =	ssyncset.done $0x0  }
0xa0: {  	[sflag:s22] =	ssyncadd.s32 s3;
	_ =	sdelay $0x1  }
0xa1: {  	s23 =	simm.s32 $0x1B8B  }
0xa2: {  	_ =	swait.ge [sflag:s23], $0x1  }
0xa3: {  	[sflag:s23] =	ssyncset.done $0x0  }
0xa4: {  	s25 =	simm.s32 $0x1B8E;
	s24 =	sld [smem:$0x3FFE];
	[sflag:s23] =	ssyncadd.s32 $0xFFFFFFFF  }
0xa5: {  	s26 =	simm.s32 $execute0_lowered;
	[smem:$0x3FD2] =	sst s25  }
0xa6: {  	s4 =	sshll.u32 s26, $0x1;
	_ =	strace $0x80000046;
	[dreg:$0x1] =	wrdreg $0xFFFFFFFF  }
0xa7: {  	s28 =	simm.s32 $_size_execute0_lowered;
	s2 =	sadd.s32 s2, s4;
	[dreg:$0x0] =	wrdreg $0x0  }
0xa8: {  	s4 =	sshll.u32 s28, $0x1;
	[dreg:$0x2] =	wrdreg s2  }
0xa9: {  	[dreg:$0x3] =	wrdreg s4  }
0xaa: {  	[dreg:$0x4] =	wrdreg $0xC0  }
0xab: {  	_ =	task [dreg:s6], $0x5FFFF  }
0xac: {  	[dreg:$0x1] =	wrdreg $0xFFFFFFFF  }
0xad: {  	[dreg:$0x0] =	wrdreg $0x60  }
0xae: {  	[dreg:$0x2] =	wrdreg s24  }
0xaf: {  	[dreg:$0x3] =	wrdreg $0x9  }
0xb0: {  	_ =	task.clear_ibuf [dreg:s6], $0x4FFFF;
	_ =	strace $0x90000046  }
0xb1: {  	s29 =	simm.s32 $0x9;
	_ =	strace $0x80000048  }
0xb2: {  	_ =	swait.ge [sflag:s29], $0x1  }
0xb3: {  	[sflag:s29] =	ssyncadd.s32 $0xFFFFFFFF  }
0xb4: {  	_ =	strace $0x90000048  }
0xb5: {  	_ =	sfence  }
0xb6: {  	s30 =	sld [smem:$0x0];
	_ =	sdelay $0x2  }
0xb7: {  	s31 =	sshll.u32 s1, $0xD;
	s1 =	sshrl.u32 s1, $0x2  }
0xb8: {  	s3 =	sand.u32 $0x4000, s31;
	s1 =	sadd.s32 s1, s30  }
0xb9: {  	s0 =	sor.u32 s3, s0;
	s1 =	sshll.u32 s1, $0x11  }
0xba: {  	s0 =	sor.u32 s1, s0  }
0xbb: {  	s0 =	sadd.s32 $0x8F2B, s0  }
0xbc: {  	[sflag:s0] =	ssyncadd.remote.s32 $0x1  }
0xbd: {  	_ =	sfence.sel $0xFFFF  }
0xbe: {  	[dreg:$0x0] =	wrdreg $0xFFFFFFFF;
	(pc) =	sbr.abs _section_cstart, $3  }
0xbf: {  	[dreg:$0x1] =	wrdreg $0xFFFFFFFF  }
0xc0: {  	_ =	task.clear_ibuf [dreg:s6], $0x2FFFF;
	_ =	strace $0x9FFFFFFF  }
0xc1: {  	(tm) =	ssettm $0x7FFFFFFF  }
tec
execute0_lowered:
.L_overlay_start_1:
0x0: {  	(tag) =	ssettag $0x1  }
0x1: {  	s1 =	srdreg.scid  }
0x2: {  	s0 =	stileid.u32;
	s3 =	rddreg [dreg:$0x0]  }
0x3: {  	s2 =	simm.s32 $0x0;
	s14 =	simm.s32 $0x1;
	s15 =	simm.s32 $0x840  }
0x4: {  	s16 =	simm.s32 $0x1080;
	s17 =	simm.s32 $0x18C0;
	s18 =	simm.s32 $0x2100  }
0x5: {  	s19 =	simm.s32 $0x2940;
	s20 =	simm.s32 $0x3180;
	s21 =	simm.s32 $0x39C0  }
0x6: {  	s22 =	simm.s32 $0x4200;
	s4 =	sand.u32 $0x1, s1;
	s5 =	sshll.u32 s0, $0x1  }
0x7: {  	s23 =	simm.s32 $0x4A80;
	s1 =	rddreg [dreg:$0x1];
	s5 =	sor.u32 s4, s5  }
0x8: {  	s24 =	simm.s32 $0x0;
	[smem:$0x7FF] =	sst s2;
	s6 =	smul.u32 $0x840, s5  }
0x9: {  	_ =	strace $0x80000047;
	s4 =	ssub.s32 $0x2, s4;
	s5 =	sshll.u32 s5, $0x4  }
0xa: {  	s7 =	sshrl.u32 s4, $0x1;
	s12 =	sadd.s32 s5, s3;
	s6 =	sshrl.u32 s6, $0x3  }
0xb: {  	s13 =	ssub.s32 s4, s7;
	s12 =	sadd.s32 $0x12A00, s12;
	s3 =	sadd.s32 s3, s6  }
0xc: {  	s13 =	smax.u32 s13, $0x1;
	s4 =	sadd.s32 $0x2100, s3;
	s5 =	sadd.s32 $0x4200, s3  }
0xd: {  	s6 =	sadd.s32 $0x6300, s3;
	s7 =	sadd.s32 $0x8400, s3;
	s8 =	sadd.s32 $0xA500, s3  }
0xe: {  	s9 =	sadd.s32 $0xC600, s3;
	s10 =	sadd.s32 $0xE700, s3;
	s11 =	sadd.s32 $0x10800, s3  }
.LBB2_1:
0xf: {  	[tilespmem:s2], [sflag:$0x1] =	stream.linear.gather [hbm4b:s3+s2], $0x840, $0x38;
	[tilespmem:$0x4B00] =	vst v63  }
0x10: {  	_ =	swait.ge [sflag:s14], $0x840  }
0x11: {  	[sflag:s14] =	ssyncset.done $0x0  }
0x12: {  	[sflag:s14] =	ssyncadd.s32 $0xFFFFF7C0  }
0x13: {  	[tilespmem:s15], [sflag:$0x1] =	stream.linear.gather [hbm4b:s4+s2], $0x840, $0x38;
	[tilespmem:$0x4B00] =	vst v63  }
0x14: {  	_ =	swait.ge [sflag:s14], $0x840  }
0x15: {  	[sflag:s14] =	ssyncset.done $0x0  }
0x16: {  	[sflag:s14] =	ssyncadd.s32 $0xFFFFF7C0  }
0x17: {  	[tilespmem:s16], [sflag:$0x1] =	stream.linear.gather [hbm4b:s5+s2], $0x840, $0x38;
	[tilespmem:$0x4B00] =	vst v63  }
0x18: {  	_ =	swait.ge [sflag:s14], $0x840  }
0x19: {  	[sflag:s14] =	ssyncset.done $0x0  }
0x1a: {  	[sflag:s14] =	ssyncadd.s32 $0xFFFFF7C0  }
0x1b: {  	[tilespmem:s17], [sflag:$0x1] =	stream.linear.gather [hbm4b:s6+s2], $0x840, $0x38;
	[tilespmem:$0x4B00] =	vst v63  }
0x1c: {  	_ =	swait.ge [sflag:s14], $0x840  }
0x1d: {  	[sflag:s14] =	ssyncset.done $0x0  }
0x1e: {  	[sflag:s14] =	ssyncadd.s32 $0xFFFFF7C0  }
0x1f: {  	[tilespmem:s18], [sflag:$0x1] =	stream.linear.gather [hbm4b:s7+s2], $0x840, $0x38;
	[tilespmem:$0x4B00] =	vst v63  }
0x20: {  	_ =	swait.ge [sflag:s14], $0x840  }
0x21: {  	[sflag:s14] =	ssyncset.done $0x0  }
0x22: {  	[sflag:s14] =	ssyncadd.s32 $0xFFFFF7C0  }
0x23: {  	[tilespmem:s19], [sflag:$0x1] =	stream.linear.gather [hbm4b:s8+s2], $0x840, $0x38;
	[tilespmem:$0x4B00] =	vst v63  }
0x24: {  	_ =	swait.ge [sflag:s14], $0x840  }
0x25: {  	[sflag:s14] =	ssyncset.done $0x0  }
0x26: {  	[sflag:s14] =	ssyncadd.s32 $0xFFFFF7C0  }
0x27: {  	[tilespmem:s20], [sflag:$0x1] =	stream.linear.gather [hbm4b:s9+s2], $0x840, $0x38;
	[tilespmem:$0x4B00] =	vst v63  }
0x28: {  	_ =	swait.ge [sflag:s14], $0x840  }
0x29: {  	[sflag:s14] =	ssyncset.done $0x0  }
0x2a: {  	[sflag:s14] =	ssyncadd.s32 $0xFFFFF7C0  }
0x2b: {  	[tilespmem:s21], [sflag:$0x1] =	stream.linear.gather [hbm4b:s10+s2], $0x840, $0x38;
	[tilespmem:$0x4B00] =	vst v63  }
0x2c: {  	_ =	swait.ge [sflag:s14], $0x840  }
0x2d: {  	[sflag:s14] =	ssyncset.done $0x0  }
0x2e: {  	[sflag:s14] =	ssyncadd.s32 $0xFFFFF7C0  }
0x2f: {  	[tilespmem:s22], [sflag:$0x1] =	stream.linear.gather [hbm4b:s11+s2], $0x840, $0x38;
	[tilespmem:$0x4B00] =	vst v63  }
0x30: {  	_ =	swait.ge [sflag:s14], $0x840  }
0x31: {  	[sflag:s14] =	ssyncset.done $0x0  }
0x32: {  	v0 =	vimm.f32 $0.0e+00;
	[sflag:s14] =	ssyncadd.s32 $0xFFFFF7C0  }
0x33: {  	[tilespmem:$0x4A80] =	vst v0  }
0x34: {  	v1 =	vld [tilespmem:s2+$0x39C0]  }
0x35: {  	v2 =	vld [tilespmem:s2+$0x2940]  }
0x36: {  	v3 =	vld [tilespmem:s2+$0x18C0]  }
0x37: {  	v4 =	vld [tilespmem:s2+$0x840];
	_ =	sdelay $0x3  }
0x38: {  	v9 =	vsub.f32 v1, v2  }
0x39: {  	v10 =	vsub.f32 v3, v4  }
0x3a: {  	v5 =	vadd.f32 $1.000000010e-07, v9  }
0x3b: {  	v6 =	vadd.f32 $1.000000010e-07, v10  }
0x3c: {  	s25 =	sand.u32 $0xFC0, s2;
	(erf) = vrcp.f32 v5  }
0x3d: {  	v55 =	vld [tilespmem:s25+$0x2100];
	(erf) = vrcp.f32 v6  }
0x3e: {  	v7 =	vld [tilespmem:s2+$0x0]  }
0x3f: {  	v5 =	vld [tilespmem:s25+$0x3180]  }
0x40: {  	v8 =	vld [tilespmem:s25+$0x1080];
	_ =	sdelay $0x3  }
0x41: {  	v11 =	vsub.f32 v5, v55  }
0x42: {  	v13 =	vsub.f32 v8, v7;
	v12 =	vpop (erf)  }
0x43: {  	v12 =	vmul.f32 v12, v11;
	v14 =	vpop (erf)  }
0x44: {  	v14 =	vmul.f32 v14, v13  }
0x45: {  	v15 =	vmax.f32 v12, $1.000000000e+00  }
0x46: {  	(erf) = vrcp.f32 v15;
	v56 =	vmax.f32 v14, $1.000000000e+00  }
0x47: {  	(erf) = vrcp.f32 v56;
	_ =	sdelay $0x7  }
0x48: {  	v57 =	vpop (erf)  }
0x49: {  	v16 =	vmin.f32 v12, $1.000000000e+00;
	v17 =	vpop (erf)  }
0x4a: {  	v18 =	vmin.f32 v14, $1.000000000e+00;
	v19 =	vmul.f32 v57, v57;
	v20 =	vmul.f32 v17, v17  }
0x4b: {  	v21 =	vmul.f32 v16, v16;
	v22 =	vmul.f32 v18, v18  }
0x4c: {  	v23 =	vmul.f32 $2.932762030e-03, v19;
	v24 =	vmul.f32 $2.932762030e-03, v20  }
0x4d: {  	v25 =	vmul.f32 $2.932762030e-03, v21  }
0x4e: {  	v26 =	vmul.f32 $2.932762030e-03, v22;
	v23 =	vadd.f32 $-1.641319130e-02, v23;
	v24 =	vadd.f32 $-1.641319130e-02, v24  }
0x4f: {  	v25 =	vadd.f32 $-1.641319130e-02, v25  }
0x50: {  	v26 =	vadd.f32 $-1.641319130e-02, v26;
	v23 =	vmul.f32 v23, v19;
	v24 =	vmul.f32 v24, v20  }
0x51: {  	v25 =	vmul.f32 v25, v21  }
0x52: {  	v26 =	vmul.f32 v26, v22;
	v23 =	vadd.f32 $4.327824340e-02, v23;
	v24 =	vadd.f32 $4.327824340e-02, v24  }
0x53: {  	v25 =	vadd.f32 $4.327824340e-02, v25  }
0x54: {  	v26 =	vadd.f32 $4.327824340e-02, v26;
	v23 =	vmul.f32 v23, v19;
	v24 =	vmul.f32 v24, v20  }
0x55: {  	v25 =	vmul.f32 v25, v21  }
0x56: {  	v26 =	vmul.f32 v26, v22;
	v23 =	vadd.f32 $-7.556900380e-02, v23;
	v24 =	vadd.f32 $-7.556900380e-02, v24  }
0x57: {  	v25 =	vadd.f32 $-7.556900380e-02, v25  }
0x58: {  	v26 =	vadd.f32 $-7.556900380e-02, v26;
	v23 =	vmul.f32 v23, v19;
	v24 =	vmul.f32 v24, v20  }
0x59: {  	v25 =	vmul.f32 v25, v21  }
0x5a: {  	v26 =	vmul.f32 v26, v22;
	v23 =	vadd.f32 $1.066748720e-01, v23;
	v24 =	vadd.f32 $1.066748720e-01, v24  }
0x5b: {  	v27 =	vmin.f32 v3, v1;
	v28 =	vmax.f32 v4, v2;
	v25 =	vadd.f32 $1.066748720e-01, v25  }
0x5c: {  	v26 =	vadd.f32 $1.066748720e-01, v26;
	v23 =	vmul.f32 v23, v19;
	v24 =	vmul.f32 v24, v20  }
0x5d: {  	v58 =	vmax.f32 v7, v55;
	v27 =	vsub.f32 v27, v28;
	v25 =	vmul.f32 v25, v21  }
0x5e: {  	v26 =	vmul.f32 v26, v22;
	v23 =	vadd.f32 $-1.421110630e-01, v23;
	v24 =	vadd.f32 $-1.421110630e-01, v24  }
0x5f: {  	v10 =	vmul.f32 v10, v13;
	v29 =	vmin.f32 v8, v5;
	v25 =	vadd.f32 $-1.421110630e-01, v25  }
0x60: {  	v26 =	vadd.f32 $-1.421110630e-01, v26;
	v23 =	vmul.f32 v23, v19;
	v24 =	vmul.f32 v24, v20  }
0x61: {  	v60 =	vmax.f32 v27, $0.0e+00;
	v28 =	vsub.f32 v29, v58;
	v25 =	vmul.f32 v25, v21  }
0x62: {  	v26 =	vmul.f32 v26, v22;
	v23 =	vadd.f32 $1.999369410e-01, v23;
	v24 =	vadd.f32 $1.999369410e-01, v24  }
0x63: {  	v9 =	vmul.f32 v9, v11;
	v59 =	vmax.f32 v28, $0.0e+00;
	v25 =	vadd.f32 $1.999369410e-01, v25  }
0x64: {  	v26 =	vadd.f32 $1.999369410e-01, v26;
	v23 =	vmul.f32 v23, v19;
	v24 =	vmul.f32 v24, v20  }
0x65: {  	v9 =	vadd.f32 v9, v10;
	v11 =	vmul.f32 v60, v59;
	v61 =	vmul.f32 v25, v21  }
0x66: {  	v62 =	vmul.f32 v26, v22;
	v23 =	vadd.f32 $-3.333313760e-01, v23;
	v24 =	vadd.f32 $-3.333313760e-01, v24  }
0x67: {  	v9 =	vsub.f32 v9, v11;
	v10 =	vadd.f32 $-3.333313760e-01, v61  }
0x68: {  	v13 =	vadd.f32 $-3.333313760e-01, v62;
	v19 =	vmul.f32 v23, v19;
	v20 =	vmul.f32 v24, v20  }
0x69: {  	v9 =	vadd.f32 $1.000000010e-07, v9;
	v10 =	vmul.f32 v10, v21  }
0x6a: {  	v13 =	vmul.f32 v13, v22;
	v19 =	vadd.f32 $1.000000000e+00, v19;
	v20 =	vadd.f32 $1.000000000e+00, v20  }
0x6b: {  	(erf) = vrcp.f32 v9;
	v63 =	vadd.f32 $1.000000000e+00, v10  }
0x6c: {  	v21 =	vadd.f32 $1.000000000e+00, v13;
	v22 =	vmul.f32 v19, v57;
	v23 =	vmul.f32 v20, v17  }
0x6d: {  	v9 =	vmul.f32 v63, v16  }
0x6e: {  	v10 =	vmul.f32 v21, v18;
	v13 =	vsub.f32 $1.570796370e+00, v22;
	v15 =	vsub.f32 $1.570796370e+00, v23  }
0x6f: {  	v27 =	vmax.f32 v8, v5;
	vm1 =	vle.f32 v12, $1.000000000e+00;
	vm0 =	vle.f32 v14, $1.000000000e+00  }
0x70: {  	v25 =	vmin.f32 v4, v2;
	v9 =	vsel vm1, v9, v13;
	v10 =	vsel vm0, v10, v15  }
0x71: {  	v26 =	vmin.f32 v7, v55;
	v24 =	vmax.f32 v3, v1;
	v9 =	vsub.f32 v10, v9  }
0x72: {  	v29 =	vsub.f32 v27, v26;
	v28 =	vsub.f32 v24, v25  }
0x73: {  	v30 =	vmul.f32 $4.052847330e-01, v9  }
0x74: {  	v31 =	vpop (erf);
	v12 =	vmul.f32 v29, v29;
	v10 =	vmul.f32 v28, v28  }
0x75: {  	v11 =	vmul.f32 v31, v11;
	v9 =	vmul.f32 v30, v9  }
0x76: {  	v10 =	vadd.f32 v10, v12  }
0x77: {  	v32 =	vsub.f32 v9, v11  }
0x78: {  	v10 =	vmul.f32 $4.000000000e+00, v10  }
0x79: {  	v12 =	vadd.f32 $1.000000000e+00, v32  }
0x7a: {  	v10 =	vadd.f32 $4.000000050e-07, v10  }
0x7b: {  	v12 =	vadd.f32 $1.000000010e-07, v12  }
0x7c: {  	(erf) = vrcp.f32 v10  }
0x7d: {  	v1 =	vadd.f32 v1, v2;
	v2 =	vadd.f32 v3, v4;
	(erf) = vrcp.f32 v12  }
0x7e: {  	v3 =	vadd.f32 v5, v55;
	v4 =	vadd.f32 v8, v7;
	_ =	sdelay $0x1  }
0x7f: {  	v1 =	vsub.f32 v2, v1;
	v2 =	vsub.f32 v4, v3;
	_ =	sdelay $0x1  }
0x80: {  	v2 =	vmul.f32 v2, v2  }
0x81: {  	v1 =	vmul.f32 v1, v1;
	_ =	sdelay $0x1  }
0x82: {  	v1 =	vadd.f32 v1, v2;
	v3 =	vpop (erf)  }
0x83: {  	v2 =	vpop (erf)  }
0x84: {  	v1 =	vmul.f32 v3, v1;
	v2 =	vmul.f32 v2, v9;
	_ =	sdelay $0x1  }
0x85: {  	v1 =	vsub.f32 v11, v1;
	v2 =	vmul.f32 v2, v9  }
0x86: {  	v3 =	vld [tilespmem:s25+$0x4200]  }
0x87: {  	v1 =	vsub.f32 v2, v1;
	_ =	sdelay $0x1  }
0x88: {  	v1 =	vadd.f32 $1.000000000e+00, v1;
	_ =	sdelay $0x1  }
0x89: {  	v1 =	vmul.f32 v1, v3;
	_ =	sdelay $0x1  }
0x8a: {  	v0 =	vadd.f32 v1, v0;
	_ =	sdelay $0x1  }
0x8b: {  	[tilespmem:$0x4A80] =	vst v0  }
0x8c: {  	v1 =	vld [tilespmem:s2+$0x39D0]  }
0x8d: {  	v2 =	vld [tilespmem:s2+$0x18D0]  }
0x8e: {  	v3 =	vld [tilespmem:s2+$0x2950]  }
0x8f: {  	v4 =	vld [tilespmem:s2+$0x850];
	_ =	sdelay $0x3  }
0x90: {  	v33 =	vsub.f32 v1, v3  }
0x91: {  	v34 =	vsub.f32 v2, v4  }
0x92: {  	v5 =	vadd.f32 $1.000000010e-07, v33  }
0x93: {  	v35 =	vadd.f32 $1.000000010e-07, v34  }
0x94: {  	(erf) = vrcp.f32 v5  }
0x95: {  	v6 =	vld [tilespmem:s2+$0x3190];
	(erf) = vrcp.f32 v35  }
0x96: {  	v7 =	vld [tilespmem:s2+$0x2110]  }
0x97: {  	v8 =	vld [tilespmem:s2+$0x10]  }
0x98: {  	v5 =	vld [tilespmem:s2+$0x1090];
	_ =	sdelay $0x3  }
0x99: {  	v36 =	vsub.f32 v6, v7  }
0x9a: {  	v37 =	vsub.f32 v5, v8;
	v38 =	vpop (erf)  }
0x9b: {  	v13 =	vmul.f32 v38, v36;
	v39 =	vpop (erf)  }
0x9c: {  	v14 =	vmul.f32 v39, v37  }
0x9d: {  	v40 =	vmax.f32 v13, $1.000000000e+00  }
0x9e: {  	v41 =	vmax.f32 v14, $1.000000000e+00;
	(erf) = vrcp.f32 v40  }
0x9f: {  	(erf) = vrcp.f32 v41;
	_ =	sdelay $0x7  }
0xa0: {  	v15 =	vpop (erf)  }
0xa1: {  	v42 =	vmin.f32 v13, $1.000000000e+00;
	v43 =	vpop (erf)  }
0xa2: {  	v44 =	vmin.f32 v14, $1.000000000e+00;
	v45 =	vmul.f32 v15, v15;
	v46 =	vmul.f32 v43, v43  }
0xa3: {  	v48 =	vmul.f32 v42, v42;
	v47 =	vmul.f32 v44, v44  }
0xa4: {  	v49 =	vmul.f32 $2.932762030e-03, v45;
	v50 =	vmul.f32 $2.932762030e-03, v46  }
0xa5: {  	v52 =	vmul.f32 $2.932762030e-03, v48  }
0xa6: {  	v51 =	vmul.f32 $2.932762030e-03, v47;
	v23 =	vadd.f32 $-1.641319130e-02, v49;
	v24 =	vadd.f32 $-1.641319130e-02, v50  }
0xa7: {  	v26 =	vadd.f32 $-1.641319130e-02, v52  }
0xa8: {  	v25 =	vadd.f32 $-1.641319130e-02, v51;
	v23 =	vmul.f32 v23, v45;
	v24 =	vmul.f32 v24, v46  }
0xa9: {  	v26 =	vmul.f32 v26, v48  }
0xaa: {  	v25 =	vmul.f32 v25, v47;
	v23 =	vadd.f32 $4.327824340e-02, v23;
	v24 =	vadd.f32 $4.327824340e-02, v24  }
0xab: {  	v26 =	vadd.f32 $4.327824340e-02, v26  }
0xac: {  	v25 =	vadd.f32 $4.327824340e-02, v25;
	v23 =	vmul.f32 v23, v45;
	v24 =	vmul.f32 v24, v46  }
0xad: {  	v26 =	vmul.f32 v26, v48  }
0xae: {  	v25 =	vmul.f32 v25, v47;
	v23 =	vadd.f32 $-7.556900380e-02, v23;
	v24 =	vadd.f32 $-7.556900380e-02, v24  }
0xaf: {  	v26 =	vadd.f32 $-7.556900380e-02, v26  }
0xb0: {  	v25 =	vadd.f32 $-7.556900380e-02, v25;
	v23 =	vmul.f32 v23, v45;
	v24 =	vmul.f32 v24, v46  }
0xb1: {  	v26 =	vmul.f32 v26, v48  }
0xb2: {  	v25 =	vmul.f32 v25, v47;
	v23 =	vadd.f32 $1.066748720e-01, v23;
	v24 =	vadd.f32 $1.066748720e-01, v24  }
0xb3: {  	v53 =	vmin.f32 v2, v1;
	v54 =	vmax.f32 v4, v3;
	v26 =	vadd.f32 $1.066748720e-01, v26  }
0xb4: {  	v25 =	vadd.f32 $1.066748720e-01, v25;
	v23 =	vmul.f32 v23, v45;
	v24 =	vmul.f32 v24, v46  }
0xb5: {  	v56 =	vmax.f32 v8, v7;
	v27 =	vsub.f32 v53, v54;
	v26 =	vmul.f32 v26, v48  }
0xb6: {  	v25 =	vmul.f32 v25, v47;
	v23 =	vadd.f32 $-1.421110630e-01, v23;
	v24 =	vadd.f32 $-1.421110630e-01, v24  }
0xb7: {  	v9 =	vmul.f32 v33, v36;
	v55 =	vmin.f32 v5, v6;
	v58 =	vadd.f32 $-1.421110630e-01, v26  }
0xb8: {  	v57 =	vadd.f32 $-1.421110630e-01, v25;
	v23 =	vmul.f32 v23, v45;
	v24 =	vmul.f32 v24, v46  }
0xb9: {  	v61 =	vmax.f32 v27, $0.0e+00;
	v59 =	vsub.f32 v55, v56;
	v60 =	vmul.f32 v58, v48  }
0xba: {  	v11 =	vmul.f32 v57, v47;
	v23 =	vadd.f32 $1.999369410e-01, v23;
	v24 =	vadd.f32 $1.999369410e-01, v24  }
0xbb: {  	v10 =	vmul.f32 v34, v37;
	v26 =	vmax.f32 v59, $0.0e+00;
	v12 =	vadd.f32 $1.999369410e-01, v60  }
0xbc: {  	v11 =	vadd.f32 $1.999369410e-01, v11;
	v23 =	vmul.f32 v23, v45;
	v24 =	vmul.f32 v24, v46  }
0xbd: {  	v9 =	vadd.f32 v9, v10;
	v25 =	vmul.f32 v61, v26;
	v63 =	vmul.f32 v12, v48  }
0xbe: {  	v62 =	vmul.f32 v11, v47;
	v26 =	vadd.f32 $-3.333313760e-01, v23;
	v27 =	vadd.f32 $-3.333313760e-01, v24  }
0xbf: {  	v9 =	vsub.f32 v9, v25;
	v11 =	vadd.f32 $-3.333313760e-01, v63  }
0xc0: {  	v10 =	vadd.f32 $-3.333313760e-01, v62;
	v12 =	vmul.f32 v26, v45;
	v28 =	vmul.f32 v27, v46  }
0xc1: {  	v9 =	vadd.f32 $1.000000010e-07, v9;
	v11 =	vmul.f32 v11, v48  }
0xc2: {  	v10 =	vmul.f32 v10, v47;
	v12 =	vadd.f32 $1.000000000e+00, v12;
	v19 =	vadd.f32 $1.000000000e+00, v28  }
0xc3: {  	(erf) = vrcp.f32 v9;
	v30 =	vadd.f32 $1.000000000e+00, v11  }
0xc4: {  	v29 =	vadd.f32 $1.000000000e+00, v10;
	v31 =	vmul.f32 v12, v15;
	v32 =	vmul.f32 v19, v43  }
0xc5: {  	v10 =	vmul.f32 v30, v42  }
0xc6: {  	v9 =	vmul.f32 v29, v44;
	v11 =	vsub.f32 $1.570796370e+00, v31;
	v12 =	vsub.f32 $1.570796370e+00, v32  }
0xc7: {  	v33 =	vmax.f32 v2, v1;
	vm11 =	vle.f32 v13, $1.000000000e+00;
	vm10 =	vle.f32 v14, $1.000000000e+00  }
0xc8: {  	v35 =	vmax.f32 v5, v6;
	v10 =	vsel vm11, v10, v11;
	v9 =	vsel vm10, v9, v12  }
0xc9: {  	v34 =	vmin.f32 v4, v3;
	v36 =	vmin.f32 v8, v7;
	v9 =	vsub.f32 v9, v10  }
0xca: {  	v37 =	vsub.f32 v33, v34;
	v11 =	vsub.f32 v35, v36  }
0xcb: {  	v38 =	vmul.f32 $4.052847330e-01, v9  }
0xcc: {  	v39 =	vpop (erf);
	v10 =	vmul.f32 v37, v37;
	v11 =	vmul.f32 v11, v11  }
0xcd: {  	v13 =	vmul.f32 v39, v25;
	v9 =	vmul.f32 v38, v9  }
0xce: {  	v10 =	vadd.f32 v10, v11  }
0xcf: {  	v40 =	vsub.f32 v9, v13  }
0xd0: {  	v10 =	vmul.f32 $4.000000000e+00, v10  }
0xd1: {  	v11 =	vadd.f32 $1.000000000e+00, v40  }
0xd2: {  	v10 =	vadd.f32 $4.000000050e-07, v10  }
0xd3: {  	v11 =	vadd.f32 $1.000000010e-07, v11  }
0xd4: {  	(erf) = vrcp.f32 v10  }
0xd5: {  	v1 =	vadd.f32 v1, v3;
	v2 =	vadd.f32 v2, v4;
	(erf) = vrcp.f32 v11  }
0xd6: {  	v3 =	vadd.f32 v6, v7;
	v4 =	vadd.f32 v5, v8;
	_ =	sdelay $0x1  }
0xd7: {  	v1 =	vsub.f32 v2, v1;
	v2 =	vsub.f32 v4, v3;
	_ =	sdelay $0x1  }
0xd8: {  	v2 =	vmul.f32 v2, v2  }
0xd9: {  	v1 =	vmul.f32 v1, v1;
	_ =	sdelay $0x1  }
0xda: {  	v1 =	vadd.f32 v1, v2;
	v3 =	vpop (erf)  }
0xdb: {  	v2 =	vpop (erf)  }
0xdc: {  	v1 =	vmul.f32 v3, v1;
	v2 =	vmul.f32 v2, v9;
	_ =	sdelay $0x1  }
0xdd: {  	v1 =	vsub.f32 v13, v1;
	v2 =	vmul.f32 v2, v9  }
0xde: {  	v3 =	vld [tilespmem:s2+$0x4210]  }
0xdf: {  	v1 =	vsub.f32 v2, v1;
	_ =	sdelay $0x1  }
0xe0: {  	v1 =	vadd.f32 $1.000000000e+00, v1;
	_ =	sdelay $0x1  }
0xe1: {  	v1 =	vmul.f32 v1, v3;
	_ =	sdelay $0x1  }
0xe2: {  	v0 =	vadd.f32 v1, v0;
	_ =	sdelay $0x1  }
0xe3: {  	[tilespmem:$0x4A80] =	vst v0  }
0xe4: {  	v1 =	vld [tilespmem:s2+$0x2960]  }
0xe5: {  	v2 =	vld [tilespmem:s2+$0x18E0]  }
0xe6: {  	v3 =	vld [tilespmem:s2+$0x860]  }
0xe7: {  	v4 =	vld [tilespmem:s2+$0x39E0];
	_ =	sdelay $0x3  }
0xe8: {  	v41 =	vsub.f32 v2, v3  }
0xe9: {  	v42 =	vsub.f32 v4, v1  }
0xea: {  	v5 =	vadd.f32 $1.000000010e-07, v41  }
0xeb: {  	v43 =	vadd.f32 $1.000000010e-07, v42  }
0xec: {  	(erf) = vrcp.f32 v5  }
0xed: {  	v6 =	vld [tilespmem:s2+$0x10A0];
	(erf) = vrcp.f32 v43  }
0xee: {  	v7 =	vld [tilespmem:s2+$0x20]  }
0xef: {  	v8 =	vld [tilespmem:s2+$0x2120]  }
0xf0: {  	v5 =	vld [tilespmem:s2+$0x31A0];
	_ =	sdelay $0x3  }
0xf1: {  	v44 =	vsub.f32 v6, v7  }
0xf2: {  	v45 =	vsub.f32 v5, v8;
	v46 =	vpop (erf)  }
0xf3: {  	v13 =	vmul.f32 v46, v44;
	v47 =	vpop (erf)  }
0xf4: {  	v14 =	vmul.f32 v47, v45  }
0xf5: {  	v48 =	vmax.f32 v13, $1.000000000e+00  }
0xf6: {  	v49 =	vmax.f32 v14, $1.000000000e+00;
	(erf) = vrcp.f32 v48  }
0xf7: {  	(erf) = vrcp.f32 v49;
	_ =	sdelay $0x7  }
0xf8: {  	v15 =	vpop (erf)  }
0xf9: {  	v50 =	vmin.f32 v13, $1.000000000e+00;
	v51 =	vpop (erf)  }
0xfa: {  	v52 =	vmin.f32 v14, $1.000000000e+00;
	v53 =	vmul.f32 v15, v15;
	v54 =	vmul.f32 v51, v51  }
0xfb: {  	v56 =	vmul.f32 v50, v50;
	v55 =	vmul.f32 v52, v52  }
0xfc: {  	v57 =	vmul.f32 $2.932762030e-03, v53;
	v58 =	vmul.f32 $2.932762030e-03, v54  }
0xfd: {  	v60 =	vmul.f32 $2.932762030e-03, v56  }
0xfe: {  	v59 =	vmul.f32 $2.932762030e-03, v55;
	v23 =	vadd.f32 $-1.641319130e-02, v57;
	v24 =	vadd.f32 $-1.641319130e-02, v58  }
0xff: {  	v26 =	vadd.f32 $-1.641319130e-02, v60  }
0x100: {  	v25 =	vadd.f32 $-1.641319130e-02, v59;
	v23 =	vmul.f32 v23, v53;
	v24 =	vmul.f32 v24, v54  }
0x101: {  	v26 =	vmul.f32 v26, v56  }
0x102: {  	v25 =	vmul.f32 v25, v55;
	v23 =	vadd.f32 $4.327824340e-02, v23;
	v24 =	vadd.f32 $4.327824340e-02, v24  }
0x103: {  	v26 =	vadd.f32 $4.327824340e-02, v26  }
0x104: {  	v25 =	vadd.f32 $4.327824340e-02, v25;
	v23 =	vmul.f32 v23, v53;
	v24 =	vmul.f32 v24, v54  }
0x105: {  	v26 =	vmul.f32 v26, v56  }
0x106: {  	v25 =	vmul.f32 v25, v55;
	v23 =	vadd.f32 $-7.556900380e-02, v23;
	v24 =	vadd.f32 $-7.556900380e-02, v24  }
0x107: {  	v26 =	vadd.f32 $-7.556900380e-02, v26  }
0x108: {  	v25 =	vadd.f32 $-7.556900380e-02, v25;
	v23 =	vmul.f32 v23, v53;
	v24 =	vmul.f32 v24, v54  }
0x109: {  	v26 =	vmul.f32 v26, v56  }
0x10a: {  	v25 =	vmul.f32 v25, v55;
	v23 =	vadd.f32 $1.066748720e-01, v23;
	v24 =	vadd.f32 $1.066748720e-01, v24  }
0x10b: {  	v61 =	vmax.f32 v3, v1;
	v62 =	vmin.f32 v2, v4;
	v26 =	vadd.f32 $1.066748720e-01, v26  }
0x10c: {  	v25 =	vadd.f32 $1.066748720e-01, v25;
	v23 =	vmul.f32 v23, v53;
	v24 =	vmul.f32 v24, v54  }
0x10d: {  	v32 =	vmax.f32 v7, v8;
	v27 =	vsub.f32 v62, v61;
	v26 =	vmul.f32 v26, v56  }
0x10e: {  	v25 =	vmul.f32 v25, v55;
	v23 =	vadd.f32 $-1.421110630e-01, v23;
	v24 =	vadd.f32 $-1.421110630e-01, v24  }
0x10f: {  	v9 =	vmul.f32 v41, v44;
	v63 =	vmin.f32 v6, v5;
	v26 =	vadd.f32 $-1.421110630e-01, v26  }
0x110: {  	v25 =	vadd.f32 $-1.421110630e-01, v25;
	v23 =	vmul.f32 v23, v53;
	v24 =	vmul.f32 v24, v54  }
0x111: {  	v33 =	vmax.f32 v27, $0.0e+00;
	v28 =	vsub.f32 v63, v32;
	v26 =	vmul.f32 v26, v56  }
0x112: {  	v25 =	vmul.f32 v25, v55;
	v23 =	vadd.f32 $1.999369410e-01, v23;
	v24 =	vadd.f32 $1.999369410e-01, v24  }
0x113: {  	v10 =	vmul.f32 v42, v45;
	v34 =	vmax.f32 v28, $0.0e+00;
	v26 =	vadd.f32 $1.999369410e-01, v26  }
0x114: {  	v25 =	vadd.f32 $1.999369410e-01, v25;
	v23 =	vmul.f32 v23, v53;
	v24 =	vmul.f32 v24, v54  }
0x115: {  	v9 =	vadd.f32 v10, v9;
	v35 =	vmul.f32 v33, v34;
	v37 =	vmul.f32 v26, v56  }
0x116: {  	v36 =	vmul.f32 v25, v55;
	v23 =	vadd.f32 $-3.333313760e-01, v23;
	v24 =	vadd.f32 $-3.333313760e-01, v24  }
0x117: {  	v9 =	vsub.f32 v9, v35;
	v12 =	vadd.f32 $-3.333313760e-01, v37  }
0x118: {  	v11 =	vadd.f32 $-3.333313760e-01, v36;
	v19 =	vmul.f32 v23, v53;
	v20 =	vmul.f32 v24, v54  }
0x119: {  	v9 =	vadd.f32 $1.000000010e-07, v9;
	v12 =	vmul.f32 v12, v56  }
0x11a: {  	v11 =	vmul.f32 v11, v55;
	v19 =	vadd.f32 $1.000000000e+00, v19;
	v20 =	vadd.f32 $1.000000000e+00, v20  }
0x11b: {  	(erf) = vrcp.f32 v9;
	v39 =	vadd.f32 $1.000000000e+00, v12  }
0x11c: {  	v38 =	vadd.f32 $1.000000000e+00, v11;
	v40 =	vmul.f32 v19, v15;
	v41 =	vmul.f32 v20, v51  }
0x11d: {  	v11 =	vmul.f32 v39, v50  }
0x11e: {  	v9 =	vmul.f32 v38, v52;
	v12 =	vsub.f32 $1.570796370e+00, v40;
	v15 =	vsub.f32 $1.570796370e+00, v41  }
0x11f: {  	v43 =	vmax.f32 v2, v4;
	vm12 =	vle.f32 v13, $1.000000000e+00;
	vm13 =	vle.f32 v14, $1.000000000e+00  }
0x120: {  	v42 =	vmin.f32 v3, v1;
	v11 =	vsel vm12, v11, v12;
	v9 =	vsel vm13, v9, v15  }
0x121: {  	v44 =	vmax.f32 v6, v5;
	v45 =	vmin.f32 v7, v8;
	v9 =	vsub.f32 v11, v9  }
0x122: {  	v46 =	vsub.f32 v43, v42;
	v12 =	vsub.f32 v44, v45  }
0x123: {  	v47 =	vmul.f32 $4.052847330e-01, v9  }
0x124: {  	v48 =	vpop (erf);
	v12 =	vmul.f32 v12, v12;
	v11 =	vmul.f32 v46, v46  }
0x125: {  	v10 =	vmul.f32 v48, v35;
	v9 =	vmul.f32 v47, v9  }
0x126: {  	v11 =	vadd.f32 v11, v12  }
0x127: {  	v49 =	vsub.f32 v9, v10  }
0x128: {  	v11 =	vmul.f32 $4.000000000e+00, v11  }
0x129: {  	v12 =	vadd.f32 $1.000000000e+00, v49  }
0x12a: {  	v11 =	vadd.f32 $4.000000050e-07, v11  }
0x12b: {  	v12 =	vadd.f32 $1.000000010e-07, v12  }
0x12c: {  	(erf) = vrcp.f32 v11  }
0x12d: {  	v2 =	vadd.f32 v2, v3;
	v1 =	vadd.f32 v4, v1;
	(erf) = vrcp.f32 v12  }
0x12e: {  	v3 =	vadd.f32 v6, v7;
	v4 =	vadd.f32 v5, v8;
	_ =	sdelay $0x1  }
0x12f: {  	v1 =	vsub.f32 v2, v1;
	v2 =	vsub.f32 v3, v4;
	_ =	sdelay $0x1  }
0x130: {  	v2 =	vmul.f32 v2, v2  }
0x131: {  	v1 =	vmul.f32 v1, v1;
	_ =	sdelay $0x1  }
0x132: {  	v1 =	vadd.f32 v1, v2;
	v3 =	vpop (erf)  }
0x133: {  	v2 =	vpop (erf)  }
0x134: {  	v1 =	vmul.f32 v3, v1;
	v2 =	vmul.f32 v2, v9;
	_ =	sdelay $0x1  }
0x135: {  	v1 =	vsub.f32 v10, v1;
	v2 =	vmul.f32 v2, v9  }
0x136: {  	v3 =	vld [tilespmem:s2+$0x4220]  }
0x137: {  	v1 =	vsub.f32 v2, v1;
	_ =	sdelay $0x1  }
0x138: {  	v1 =	vadd.f32 $1.000000000e+00, v1;
	_ =	sdelay $0x1  }
0x139: {  	v1 =	vmul.f32 v1, v3;
	_ =	sdelay $0x1  }
0x13a: {  	v0 =	vadd.f32 v1, v0;
	_ =	sdelay $0x1  }
0x13b: {  	[tilespmem:$0x4A80] =	vst v0  }
0x13c: {  	v1 =	vld [tilespmem:s2+$0x870]  }
0x13d: {  	v2 =	vld [tilespmem:s2+$0x39F0]  }
0x13e: {  	v3 =	vld [tilespmem:s2+$0x18F0]  }
0x13f: {  	v4 =	vld [tilespmem:s2+$0x2970];
	_ =	sdelay $0x3  }
0x140: {  	v50 =	vsub.f32 v3, v1  }
0x141: {  	v51 =	vsub.f32 v2, v4  }
0x142: {  	v5 =	vadd.f32 $1.000000010e-07, v50  }
0x143: {  	v52 =	vadd.f32 $1.000000010e-07, v51  }
0x144: {  	(erf) = vrcp.f32 v5  }
0x145: {  	v6 =	vld [tilespmem:s2+$0x10B0];
	(erf) = vrcp.f32 v52  }
0x146: {  	v7 =	vld [tilespmem:s2+$0x2130]  }
0x147: {  	v5 =	vld [tilespmem:s2+$0x30]  }
0x148: {  	v8 =	vld [tilespmem:s2+$0x31B0];
	_ =	sdelay $0x3  }
0x149: {  	v53 =	vsub.f32 v6, v5  }
0x14a: {  	v54 =	vsub.f32 v8, v7;
	v55 =	vpop (erf)  }
0x14b: {  	v13 =	vmul.f32 v55, v53;
	v56 =	vpop (erf)  }
0x14c: {  	v14 =	vmul.f32 v56, v54  }
0x14d: {  	v57 =	vmax.f32 v13, $1.000000000e+00  }
0x14e: {  	v58 =	vmax.f32 v14, $1.000000000e+00;
	(erf) = vrcp.f32 v57  }
0x14f: {  	(erf) = vrcp.f32 v58;
	_ =	sdelay $0x7  }
0x150: {  	v15 =	vpop (erf)  }
0x151: {  	v16 =	vmin.f32 v13, $1.000000000e+00;
	v59 =	vpop (erf)  }
0x152: {  	v60 =	vmin.f32 v14, $1.000000000e+00;
	v61 =	vmul.f32 v15, v15;
	v62 =	vmul.f32 v59, v59  }
0x153: {  	v33 =	vmul.f32 v16, v16;
	v63 =	vmul.f32 v60, v60  }
0x154: {  	v34 =	vmul.f32 $2.932762030e-03, v61;
	v35 =	vmul.f32 $2.932762030e-03, v62  }
0x155: {  	v37 =	vmul.f32 $2.932762030e-03, v33  }
0x156: {  	v36 =	vmul.f32 $2.932762030e-03, v63;
	v23 =	vadd.f32 $-1.641319130e-02, v34;
	v24 =	vadd.f32 $-1.641319130e-02, v35  }
0x157: {  	v38 =	vmin.f32 v3, v2;
	v26 =	vadd.f32 $-1.641319130e-02, v37  }
0x158: {  	v25 =	vadd.f32 $-1.641319130e-02, v36;
	v23 =	vmul.f32 v23, v61;
	v24 =	vmul.f32 v24, v62  }
0x159: {  	v39 =	vmax.f32 v3, v2;
	v40 =	vmax.f32 v1, v4;
	v26 =	vmul.f32 v26, v33  }
0x15a: {  	v25 =	vmul.f32 v25, v63;
	v23 =	vadd.f32 $4.327824340e-02, v23;
	v24 =	vadd.f32 $4.327824340e-02, v24  }
0x15b: {  	v30 =	vmin.f32 v1, v4;
	v41 =	vmax.f32 v6, v8;
	v26 =	vadd.f32 $4.327824340e-02, v26  }
0x15c: {  	v25 =	vadd.f32 $4.327824340e-02, v25;
	v23 =	vmul.f32 v23, v61;
	v24 =	vmul.f32 v24, v62  }
0x15d: {  	v46 =	vmin.f32 v6, v8;
	v27 =	vsub.f32 v38, v40;
	v26 =	vmul.f32 v26, v33  }
0x15e: {  	v25 =	vmul.f32 v25, v63;
	v23 =	vadd.f32 $-7.556900380e-02, v23;
	v24 =	vadd.f32 $-7.556900380e-02, v24  }
0x15f: {  	v28 =	vsub.f32 v39, v30;
	v10 =	vmul.f32 v51, v54;
	v44 =	vadd.f32 $-7.556900380e-02, v26  }
0x160: {  	v43 =	vadd.f32 $-7.556900380e-02, v25;
	v23 =	vmul.f32 v23, v61;
	v24 =	vmul.f32 v24, v62  }
0x161: {  	v28 =	vmul.f32 v28, v28;
	v42 =	vmin.f32 v5, v7;
	v25 =	vmul.f32 v44, v33  }
0x162: {  	v12 =	vmul.f32 v43, v63;
	v23 =	vadd.f32 $1.066748720e-01, v23;
	v24 =	vadd.f32 $1.066748720e-01, v24  }
0x163: {  	v45 =	vmax.f32 v5, v7;
	v29 =	vsub.f32 v41, v42;
	v25 =	vadd.f32 $1.066748720e-01, v25  }
0x164: {  	v12 =	vadd.f32 $1.066748720e-01, v12;
	v23 =	vmul.f32 v23, v61;
	v24 =	vmul.f32 v24, v62  }
0x165: {  	v9 =	vmul.f32 v50, v53;
	v50 =	vmax.f32 v27, $0.0e+00;
	v25 =	vmul.f32 v25, v33  }
0x166: {  	v12 =	vmul.f32 v12, v63;
	v23 =	vadd.f32 $-1.421110630e-01, v23;
	v24 =	vadd.f32 $-1.421110630e-01, v24  }
0x167: {  	v29 =	vmul.f32 v29, v29;
	v9 =	vadd.f32 v10, v9;
	v48 =	vadd.f32 $-1.421110630e-01, v25  }
0x168: {  	v47 =	vadd.f32 $-1.421110630e-01, v12;
	v23 =	vmul.f32 v23, v61;
	v24 =	vmul.f32 v24, v62  }
0x169: {  	v28 =	vadd.f32 v28, v29;
	v26 =	vsub.f32 v46, v45;
	v12 =	vmul.f32 v48, v33  }
0x16a: {  	v11 =	vmul.f32 v47, v63;
	v23 =	vadd.f32 $1.999369410e-01, v23;
	v24 =	vadd.f32 $1.999369410e-01, v24  }
0x16b: {  	v51 =	vmul.f32 $4.000000000e+00, v28;
	v49 =	vmax.f32 v26, $0.0e+00;
	v12 =	vadd.f32 $1.999369410e-01, v12  }
0x16c: {  	v11 =	vadd.f32 $1.999369410e-01, v11;
	v23 =	vmul.f32 v23, v61;
	v24 =	vmul.f32 v24, v62  }
0x16d: {  	v52 =	vadd.f32 $4.000000050e-07, v51;
	v25 =	vmul.f32 v50, v49;
	v12 =	vmul.f32 v12, v33  }
0x16e: {  	v11 =	vmul.f32 v11, v63;
	v23 =	vadd.f32 $-3.333313760e-01, v23;
	v24 =	vadd.f32 $-3.333313760e-01, v24  }
0x16f: {  	v9 =	vsub.f32 v9, v25;
	v12 =	vadd.f32 $-3.333313760e-01, v12  }
0x170: {  	v11 =	vadd.f32 $-3.333313760e-01, v11;
	v19 =	vmul.f32 v23, v61;
	v20 =	vmul.f32 v24, v62  }
0x171: {  	(erf) = vrcp.f32 v52;
	v9 =	vadd.f32 $1.000000010e-07, v9;
	v54 =	vmul.f32 v12, v33  }
0x172: {  	v53 =	vmul.f32 v11, v63;
	v55 =	vadd.f32 $1.000000000e+00, v19;
	v56 =	vadd.f32 $1.000000000e+00, v20  }
0x173: {  	(erf) = vrcp.f32 v9;
	v57 =	vadd.f32 $1.000000000e+00, v54  }
0x174: {  	v10 =	vadd.f32 $1.000000000e+00, v53;
	v58 =	vmul.f32 v55, v15;
	v59 =	vmul.f32 v56, v59  }
0x175: {  	v9 =	vmul.f32 v57, v16  }
0x176: {  	v10 =	vmul.f32 v10, v60;
	v11 =	vsub.f32 $1.570796370e+00, v58;
	v12 =	vsub.f32 $1.570796370e+00, v59  }
0x177: {  	vm14 =	vle.f32 v13, $1.000000000e+00;
	vm15 =	vle.f32 v14, $1.000000000e+00  }
0x178: {  	v9 =	vsel vm14, v9, v11;
	v10 =	vsel vm15, v10, v12  }
0x179: {  	v9 =	vsub.f32 v9, v10;
	_ =	sdelay $0x1  }
0x17a: {  	v60 =	vpop (erf);
	v61 =	vmul.f32 $4.052847330e-01, v9  }
0x17b: {  	v62 =	vpop (erf)  }
0x17c: {  	v12 =	vmul.f32 v62, v25;
	v9 =	vmul.f32 v61, v9;
	_ =	sdelay $0x1  }
0x17d: {  	v11 =	vsub.f32 v9, v12;
	_ =	sdelay $0x1  }
0x17e: {  	v11 =	vadd.f32 $1.000000000e+00, v11;
	_ =	sdelay $0x1  }
0x17f: {  	v11 =	vadd.f32 $1.000000010e-07, v11;
	_ =	sdelay $0x1  }
0x180: {  	(erf) = vrcp.f32 v11  }
0x181: {  	v5 =	vadd.f32 v6, v5;
	v63 =	vadd.f32 v8, v7  }
0x182: {  	v1 =	vadd.f32 v3, v1;
	v2 =	vadd.f32 v2, v4  }
0x183: {  	v3 =	vsub.f32 v5, v63  }
0x184: {  	v1 =	vsub.f32 v1, v2  }
0x185: {  	v2 =	vmul.f32 v3, v3  }
0x186: {  	v1 =	vmul.f32 v1, v1;
	_ =	sdelay $0x1  }
0x187: {  	v1 =	vadd.f32 v1, v2  }
0x188: {  	v2 =	vpop (erf)  }
0x189: {  	v3 =	vmul.f32 v60, v1;
	v4 =	vmul.f32 v2, v9;
	_ =	sdelay $0x1  }
0x18a: {  	s26 =	simm.s32 $0x0;
	s28 =	simm.s32 $0x0;
	s25 =	simm.s32 $0x0;
	v1 =	vld [tilespmem:s2+$0x4230];
	v2 =	vsub.f32 v12, v3;
	v3 =	vmul.f32 v4, v9  }
.LBB2_2:
0x18b: {  	s25 =	sadd.s32 $0x4, s25;
	s26 =	sadd.s32 $0x40, s26;
	s28 =	sadd.s32 $0x40, s28  }
0x18c: {  	p0 =	slt.u32 s25, $0x80;
	v2 =	vsub.f32 v3, v2;
	_ =	sdelay $0x1  }
0x18d: {  	v2 =	vadd.f32 $1.000000000e+00, v2;
	_ =	sdelay $0x1  }
0x18e: {  	v1 =	vmul.f32 v2, v1;
	_ =	sdelay $0x1  }
0x18f: {  	v0 =	vadd.f32 v1, v0;
	_ =	sdelay $0x1  }
0x190: {  	[tilespmem:$0x4A80] =	vst v0  }
0x191: {  	v1 =	vld [tilespmem:s28+$0x39C0]  }
0x192: {  	v2 =	vld [tilespmem:s28+$0x2940]  }
0x193: {  	v3 =	vld [tilespmem:s28+$0x18C0]  }
0x194: {  	v4 =	vld [tilespmem:s28+$0x840];
	_ =	sdelay $0x2  }
0x195: {  	v5 =	vsub.f32 v1, v2;
	v6 =	vadd.f32 v1, v2  }
0x196: {  	v7 =	vmin.f32 v3, v1;
	v1 =	vmax.f32 v3, v1  }
0x197: {  	v8 =	vmax.f32 v4, v2;
	v9 =	vsub.f32 v3, v4;
	v10 =	vadd.f32 $1.000000010e-07, v5  }
0x198: {  	v3 =	vadd.f32 v3, v4;
	v2 =	vmin.f32 v4, v2;
	v7 =	vsub.f32 v7, v8  }
0x199: {  	v4 =	vsub.f32 v1, v2;
	v2 =	vadd.f32 $1.000000010e-07, v9;
	(erf) = vrcp.f32 v10  }
0x19a: {  	s29 =	sand.u32 $0xFC0, s26;
	v1 =	vsub.f32 v3, v6  }
0x19b: {  	v3 =	vld [tilespmem:s29+$0x3180];
	(erf) = vrcp.f32 v2  }
0x19c: {  	v2 =	vld [tilespmem:s29+$0x2100]  }
0x19d: {  	v6 =	vld [tilespmem:s28+$0x0]  }
0x19e: {  	v8 =	vld [tilespmem:s29+$0x1080];
	_ =	sdelay $0x2  }
0x19f: {  	v10 =	vsub.f32 v3, v2;
	v11 =	vadd.f32 v3, v2  }
0x1a0: {  	v12 =	vmax.f32 v6, v2;
	v13 =	vmin.f32 v6, v2;
	v2 =	vpop (erf)  }
0x1a1: {  	v14 =	vmin.f32 v8, v3;
	v15 =	vsub.f32 v8, v6;
	v2 =	vmul.f32 v2, v10  }
0x1a2: {  	v5 =	vmul.f32 v5, v10;
	v10 =	vmax.f32 v8, v3;
	v12 =	vsub.f32 v14, v12;
	v3 =	vpop (erf)  }
0x1a3: {  	v3 =	vmul.f32 v3, v15;
	v14 =	vmin.f32 v2, $1.000000000e+00;
	v16 =	vmax.f32 v2, $1.000000000e+00  }
0x1a4: {  	v12 =	vmax.f32 v12, $0.0e+00;
	v17 =	vmul.f32 v14, v14;
	(erf) = vrcp.f32 v16  }
0x1a5: {  	v9 =	vmul.f32 v9, v15;
	v15 =	vmin.f32 v3, $1.000000000e+00;
	v16 =	vmax.f32 v3, $1.000000000e+00  }
0x1a6: {  	v7 =	vmax.f32 v7, $0.0e+00;
	v18 =	vmul.f32 v15, v15;
	(erf) = vrcp.f32 v16  }
0x1a7: {  	v7 =	vmul.f32 v7, v12;
	v5 =	vadd.f32 v5, v9;
	v9 =	vmul.f32 $2.932762030e-03, v17  }
0x1a8: {  	v6 =	vadd.f32 v8, v6;
	v8 =	vsub.f32 v10, v13;
	v10 =	vmul.f32 $2.932762030e-03, v18  }
0x1a9: {  	v5 =	vsub.f32 v5, v7;
	v9 =	vadd.f32 $-1.641319130e-02, v9  }
0x1aa: {  	v4 =	vmul.f32 v4, v4;
	v8 =	vmul.f32 v8, v8;
	v10 =	vadd.f32 $-1.641319130e-02, v10  }
0x1ab: {  	v6 =	vsub.f32 v6, v11;
	v12 =	vadd.f32 $1.000000010e-07, v5;
	v9 =	vmul.f32 v9, v17  }
0x1ac: {  	v8 =	vadd.f32 v4, v8;
	v10 =	vmul.f32 v10, v18  }
0x1ad: {  	v4 =	vmul.f32 v6, v6;
	v6 =	vadd.f32 $4.327824340e-02, v9;
	(erf) = vrcp.f32 v12;
	v5 =	vpop (erf)  }
0x1ae: {  	v8 =	vmul.f32 $4.000000000e+00, v8;
	v9 =	vadd.f32 $4.327824340e-02, v10;
	v10 =	vmul.f32 v5, v5  }
0x1af: {  	v6 =	vmul.f32 v6, v17;
	v11 =	vpop (erf)  }
0x1b0: {  	v8 =	vadd.f32 $4.000000050e-07, v8;
	v12 =	vmul.f32 v11, v11;
	v13 =	vmul.f32 $2.932762030e-03, v10  }
0x1b1: {  	v9 =	vmul.f32 v9, v18;
	v6 =	vadd.f32 $-7.556900380e-02, v6  }
0x1b2: {  	v16 =	vmul.f32 $2.932762030e-03, v12;
	v13 =	vadd.f32 $-1.641319130e-02, v13;
	(erf) = vrcp.f32 v8  }
0x1b3: {  	v8 =	vadd.f32 $-7.556900380e-02, v9;
	v6 =	vmul.f32 v6, v17  }
0x1b4: {  	v9 =	vadd.f32 $-1.641319130e-02, v16;
	v13 =	vmul.f32 v13, v10  }
0x1b5: {  	v8 =	vmul.f32 v8, v18;
	v6 =	vadd.f32 $1.066748720e-01, v6  }
0x1b6: {  	v9 =	vmul.f32 v9, v12;
	v13 =	vadd.f32 $4.327824340e-02, v13;
	v16 =	vpop (erf)  }
0x1b7: {  	v8 =	vadd.f32 $1.066748720e-01, v8;
	v6 =	vmul.f32 v6, v17;
	v7 =	vmul.f32 v16, v7  }
0x1b8: {  	v9 =	vadd.f32 $4.327824340e-02, v9;
	v13 =	vmul.f32 v13, v10  }
0x1b9: {  	v8 =	vmul.f32 v8, v18;
	v6 =	vadd.f32 $-1.421110630e-01, v6  }
0x1ba: {  	v9 =	vmul.f32 v9, v12;
	v13 =	vadd.f32 $-7.556900380e-02, v13  }
0x1bb: {  	v8 =	vadd.f32 $-1.421110630e-01, v8;
	v6 =	vmul.f32 v6, v17;
	v16 =	vpop (erf)  }
0x1bc: {  	v9 =	vadd.f32 $-7.556900380e-02, v9;
	v13 =	vmul.f32 v13, v10  }
0x1bd: {  	v8 =	vmul.f32 v8, v18;
	v6 =	vadd.f32 $1.999369410e-01, v6  }
0x1be: {  	v9 =	vmul.f32 v9, v12;
	v13 =	vadd.f32 $1.066748720e-01, v13  }
0x1bf: {  	v8 =	vadd.f32 $1.999369410e-01, v8;
	v6 =	vmul.f32 v6, v17  }
0x1c0: {  	v9 =	vadd.f32 $1.066748720e-01, v9;
	v13 =	vmul.f32 v13, v10  }
0x1c1: {  	v8 =	vmul.f32 v8, v18;
	v6 =	vadd.f32 $-3.333313760e-01, v6  }
0x1c2: {  	v9 =	vmul.f32 v9, v12;
	v13 =	vadd.f32 $-1.421110630e-01, v13  }
0x1c3: {  	v8 =	vadd.f32 $-3.333313760e-01, v8;
	v6 =	vmul.f32 v6, v17  }
0x1c4: {  	v9 =	vadd.f32 $-1.421110630e-01, v9;
	v13 =	vmul.f32 v13, v10  }
0x1c5: {  	v8 =	vmul.f32 v8, v18;
	v6 =	vadd.f32 $1.000000000e+00, v6  }
0x1c6: {  	v9 =	vmul.f32 v9, v12;
	v13 =	vadd.f32 $1.999369410e-01, v13  }
0x1c7: {  	v8 =	vadd.f32 $1.000000000e+00, v8;
	v6 =	vmul.f32 v6, v14  }
0x1c8: {  	v9 =	vadd.f32 $1.999369410e-01, v9;
	v13 =	vmul.f32 v13, v10  }
0x1c9: {  	v8 =	vmul.f32 v8, v15  }
0x1ca: {  	v9 =	vmul.f32 v9, v12;
	v13 =	vadd.f32 $-3.333313760e-01, v13;
	_ =	sdelay $0x1  }
0x1cb: {  	v9 =	vadd.f32 $-3.333313760e-01, v9;
	v10 =	vmul.f32 v13, v10;
	_ =	sdelay $0x1  }
0x1cc: {  	v9 =	vmul.f32 v9, v12;
	v10 =	vadd.f32 $1.000000000e+00, v10;
	_ =	sdelay $0x1  }
0x1cd: {  	v9 =	vadd.f32 $1.000000000e+00, v9;
	v5 =	vmul.f32 v10, v5;
	_ =	sdelay $0x1  }
0x1ce: {  	v9 =	vmul.f32 v9, v11;
	v5 =	vsub.f32 $1.570796370e+00, v5;
	_ =	sdelay $0x1  }
0x1cf: {  	v9 =	vsub.f32 $1.570796370e+00, v9  }
0x1d0: {  	vm1 =	vle.f32 v2, $1.000000000e+00;
	vm0 =	vle.f32 v3, $1.000000000e+00  }
0x1d1: {  	v3 =	vsel vm1, v6, v5;
	v2 =	vsel vm0, v8, v9  }
0x1d2: {  	v2 =	vsub.f32 v2, v3;
	_ =	sdelay $0x1  }
0x1d3: {  	v3 =	vmul.f32 $4.052847330e-01, v2;
	_ =	sdelay $0x1  }
0x1d4: {  	v2 =	vmul.f32 v3, v2;
	_ =	sdelay $0x1  }
0x1d5: {  	v3 =	vsub.f32 v2, v7;
	_ =	sdelay $0x1  }
0x1d6: {  	v3 =	vadd.f32 $1.000000000e+00, v3;
	_ =	sdelay $0x1  }
0x1d7: {  	v3 =	vadd.f32 $1.000000010e-07, v3;
	_ =	sdelay $0x1  }
0x1d8: {  	(erf) = vrcp.f32 v3;
	_ =	sdelay $0x5  }
0x1d9: {  	v1 =	vmul.f32 v1, v1;
	_ =	sdelay $0x1  }
0x1da: {  	v1 =	vadd.f32 v1, v4  }
0x1db: {  	v3 =	vpop (erf)  }
0x1dc: {  	v1 =	vmul.f32 v16, v1;
	v3 =	vmul.f32 v3, v2;
	_ =	sdelay $0x1  }
0x1dd: {  	v1 =	vsub.f32 v7, v1;
	v2 =	vmul.f32 v3, v2  }
0x1de: {  	v3 =	vld [tilespmem:s29+$0x4200]  }
0x1df: {  	v1 =	vsub.f32 v2, v1;
	_ =	sdelay $0x1  }
0x1e0: {  	v1 =	vadd.f32 $1.000000000e+00, v1;
	_ =	sdelay $0x1  }
0x1e1: {  	v1 =	vmul.f32 v1, v3;
	_ =	sdelay $0x1  }
0x1e2: {  	v0 =	vadd.f32 v1, v0;
	_ =	sdelay $0x1  }
0x1e3: {  	[tilespmem:$0x4A80] =	vst v0  }
0x1e4: {  	v1 =	vld [tilespmem:s28+$0x39D0]  }
0x1e5: {  	v2 =	vld [tilespmem:s28+$0x18D0]  }
0x1e6: {  	v3 =	vld [tilespmem:s28+$0x2950]  }
0x1e7: {  	v4 =	vld [tilespmem:s28+$0x850];
	_ =	sdelay $0x2  }
0x1e8: {  	v5 =	vmin.f32 v2, v1;
	v6 =	vmax.f32 v2, v1  }
0x1e9: {  	v7 =	vsub.f32 v1, v3;
	v1 =	vadd.f32 v1, v3  }
0x1ea: {  	v8 =	vmax.f32 v4, v3;
	v9 =	vsub.f32 v2, v4;
	v3 =	vmin.f32 v4, v3  }
0x1eb: {  	v5 =	vsub.f32 v5, v8;
	v8 =	vadd.f32 $1.000000010e-07, v7  }
0x1ec: {  	v3 =	vsub.f32 v6, v3;
	v6 =	vadd.f32 $1.000000010e-07, v9  }
0x1ed: {  	v2 =	vadd.f32 v2, v4;
	(erf) = vrcp.f32 v8  }
0x1ee: {  	v4 =	vld [tilespmem:s28+$0x1090];
	(erf) = vrcp.f32 v6  }
0x1ef: {  	v1 =	vsub.f32 v2, v1;
	v6 =	vld [tilespmem:s28+$0x3190]  }
0x1f0: {  	v2 =	vld [tilespmem:s28+$0x2110]  }
0x1f1: {  	v8 =	vld [tilespmem:s28+$0x10];
	_ =	sdelay $0x2  }
0x1f2: {  	v10 =	vmin.f32 v4, v6;
	v11 =	vmax.f32 v4, v6  }
0x1f3: {  	v13 =	vmul.f32 v3, v3;
	v12 =	vsub.f32 v6, v2;
	v6 =	vadd.f32 v6, v2  }
0x1f4: {  	v16 =	vmax.f32 v8, v2;
	v14 =	vsub.f32 v4, v8;
	v15 =	vmin.f32 v8, v2;
	v2 =	vpop (erf)  }
0x1f5: {  	v10 =	vsub.f32 v10, v16;
	v7 =	vmul.f32 v7, v12;
	v2 =	vmul.f32 v2, v12;
	v3 =	vpop (erf)  }
0x1f6: {  	v11 =	vsub.f32 v11, v15;
	v9 =	vmul.f32 v9, v14;
	v3 =	vmul.f32 v3, v14  }
0x1f7: {  	v5 =	vmax.f32 v5, $0.0e+00;
	v12 =	vmin.f32 v2, $1.000000000e+00;
	v14 =	vmax.f32 v2, $1.000000000e+00  }
0x1f8: {  	v15 =	vmin.f32 v3, $1.000000000e+00;
	v16 =	vmax.f32 v3, $1.000000000e+00;
	(erf) = vrcp.f32 v14  }
0x1f9: {  	v10 =	vmax.f32 v10, $0.0e+00;
	v14 =	vmul.f32 v15, v15;
	(erf) = vrcp.f32 v16  }
0x1fa: {  	v5 =	vmul.f32 v5, v10;
	v7 =	vadd.f32 v7, v9;
	v9 =	vmul.f32 v12, v12  }
0x1fb: {  	v4 =	vadd.f32 v4, v8;
	v8 =	vmul.f32 v11, v11;
	v10 =	vmul.f32 $2.932762030e-03, v14  }
0x1fc: {  	v7 =	vsub.f32 v7, v5;
	v11 =	vmul.f32 $2.932762030e-03, v9  }
0x1fd: {  	v8 =	vadd.f32 v13, v8;
	v10 =	vadd.f32 $-1.641319130e-02, v10  }
0x1fe: {  	v7 =	vadd.f32 $1.000000010e-07, v7;
	v11 =	vadd.f32 $-1.641319130e-02, v11  }
0x1ff: {  	v4 =	vsub.f32 v4, v6;
	v6 =	vmul.f32 $4.000000000e+00, v8;
	v16 =	vmul.f32 v10, v14  }
0x200: {  	v10 =	vmul.f32 v11, v9;
	(erf) = vrcp.f32 v7  }
0x201: {  	v4 =	vmul.f32 v4, v4;
	v6 =	vadd.f32 $4.000000050e-07, v6;
	v7 =	vadd.f32 $4.327824340e-02, v16;
	v8 =	vpop (erf)  }
0x202: {  	v10 =	vadd.f32 $4.327824340e-02, v10;
	v11 =	vmul.f32 v8, v8;
	v13 =	vpop (erf)  }
0x203: {  	v16 =	vmul.f32 v13, v13;
	v7 =	vmul.f32 v7, v14  }
0x204: {  	v10 =	vmul.f32 v10, v9;
	v17 =	vmul.f32 $2.932762030e-03, v11  }
0x205: {  	v18 =	vmul.f32 $2.932762030e-03, v16;
	v7 =	vadd.f32 $-7.556900380e-02, v7;
	(erf) = vrcp.f32 v6  }
0x206: {  	v10 =	vadd.f32 $-7.556900380e-02, v10;
	v6 =	vadd.f32 $-1.641319130e-02, v17  }
0x207: {  	v17 =	vadd.f32 $-1.641319130e-02, v18;
	v7 =	vmul.f32 v7, v14  }
0x208: {  	v10 =	vmul.f32 v10, v9;
	v6 =	vmul.f32 v6, v11  }
0x209: {  	v17 =	vmul.f32 v17, v16;
	v7 =	vadd.f32 $1.066748720e-01, v7;
	v18 =	vpop (erf)  }
0x20a: {  	v10 =	vadd.f32 $1.066748720e-01, v10;
	v5 =	vmul.f32 v18, v5;
	v6 =	vadd.f32 $4.327824340e-02, v6  }
0x20b: {  	v17 =	vadd.f32 $4.327824340e-02, v17;
	v7 =	vmul.f32 v7, v14  }
0x20c: {  	v10 =	vmul.f32 v10, v9;
	v6 =	vmul.f32 v6, v11  }
0x20d: {  	v17 =	vmul.f32 v17, v16;
	v7 =	vadd.f32 $-1.421110630e-01, v7  }
0x20e: {  	v10 =	vadd.f32 $-1.421110630e-01, v10;
	v6 =	vadd.f32 $-7.556900380e-02, v6;
	v18 =	vpop (erf)  }
0x20f: {  	v17 =	vadd.f32 $-7.556900380e-02, v17;
	v7 =	vmul.f32 v7, v14  }
0x210: {  	v10 =	vmul.f32 v10, v9;
	v6 =	vmul.f32 v6, v11  }
0x211: {  	v17 =	vmul.f32 v17, v16;
	v7 =	vadd.f32 $1.999369410e-01, v7  }
0x212: {  	v10 =	vadd.f32 $1.999369410e-01, v10;
	v6 =	vadd.f32 $1.066748720e-01, v6  }
0x213: {  	v17 =	vadd.f32 $1.066748720e-01, v17;
	v7 =	vmul.f32 v7, v14  }
0x214: {  	v10 =	vmul.f32 v10, v9;
	v6 =	vmul.f32 v6, v11  }
0x215: {  	v17 =	vmul.f32 v17, v16;
	v7 =	vadd.f32 $-3.333313760e-01, v7  }
0x216: {  	v10 =	vadd.f32 $-3.333313760e-01, v10;
	v6 =	vadd.f32 $-1.421110630e-01, v6  }
0x217: {  	v17 =	vadd.f32 $-1.421110630e-01, v17;
	v7 =	vmul.f32 v7, v14  }
0x218: {  	v9 =	vmul.f32 v10, v9;
	v6 =	vmul.f32 v6, v11  }
0x219: {  	v10 =	vmul.f32 v17, v16;
	v7 =	vadd.f32 $1.000000000e+00, v7  }
0x21a: {  	v9 =	vadd.f32 $1.000000000e+00, v9;
	v6 =	vadd.f32 $1.999369410e-01, v6  }
0x21b: {  	v10 =	vadd.f32 $1.999369410e-01, v10;
	v7 =	vmul.f32 v7, v15  }
0x21c: {  	v9 =	vmul.f32 v9, v12;
	v6 =	vmul.f32 v6, v11  }
0x21d: {  	v10 =	vmul.f32 v10, v16  }
0x21e: {  	v6 =	vadd.f32 $-3.333313760e-01, v6  }
0x21f: {  	v10 =	vadd.f32 $-3.333313760e-01, v10  }
0x220: {  	v6 =	vmul.f32 v6, v11  }
0x221: {  	v10 =	vmul.f32 v10, v16  }
0x222: {  	v6 =	vadd.f32 $1.000000000e+00, v6  }
0x223: {  	v10 =	vadd.f32 $1.000000000e+00, v10  }
0x224: {  	v6 =	vmul.f32 v6, v8  }
0x225: {  	v8 =	vmul.f32 v10, v13;
	_ =	sdelay $0x1  }
0x226: {  	v6 =	vsub.f32 $1.570796370e+00, v6;
	v8 =	vsub.f32 $1.570796370e+00, v8  }
0x227: {  	vm1 =	vle.f32 v2, $1.000000000e+00;
	vm0 =	vle.f32 v3, $1.000000000e+00  }
0x228: {  	v3 =	vsel vm1, v9, v6;
	v2 =	vsel vm0, v7, v8  }
0x229: {  	v2 =	vsub.f32 v2, v3;
	_ =	sdelay $0x1  }
0x22a: {  	v3 =	vmul.f32 $4.052847330e-01, v2;
	_ =	sdelay $0x1  }
0x22b: {  	v2 =	vmul.f32 v3, v2;
	_ =	sdelay $0x1  }
0x22c: {  	v3 =	vsub.f32 v2, v5;
	_ =	sdelay $0x1  }
0x22d: {  	v3 =	vadd.f32 $1.000000000e+00, v3;
	_ =	sdelay $0x1  }
0x22e: {  	v3 =	vadd.f32 $1.000000010e-07, v3;
	_ =	sdelay $0x1  }
0x22f: {  	(erf) = vrcp.f32 v3;
	_ =	sdelay $0x5  }
0x230: {  	v1 =	vmul.f32 v1, v1;
	_ =	sdelay $0x1  }
0x231: {  	v1 =	vadd.f32 v1, v4  }
0x232: {  	v3 =	vpop (erf)  }
0x233: {  	v1 =	vmul.f32 v18, v1;
	v3 =	vmul.f32 v3, v2;
	_ =	sdelay $0x1  }
0x234: {  	v1 =	vsub.f32 v5, v1;
	v2 =	vmul.f32 v3, v2  }
0x235: {  	v3 =	vld [tilespmem:s28+$0x4210]  }
0x236: {  	v1 =	vsub.f32 v2, v1;
	_ =	sdelay $0x1  }
0x237: {  	v1 =	vadd.f32 $1.000000000e+00, v1;
	_ =	sdelay $0x1  }
0x238: {  	v1 =	vmul.f32 v1, v3;
	_ =	sdelay $0x1  }
0x239: {  	v0 =	vadd.f32 v1, v0;
	_ =	sdelay $0x1  }
0x23a: {  	[tilespmem:$0x4A80] =	vst v0  }
0x23b: {  	v1 =	vld [tilespmem:s28+$0x2960]  }
0x23c: {  	v2 =	vld [tilespmem:s28+$0x18E0]  }
0x23d: {  	v3 =	vld [tilespmem:s28+$0x860]  }
0x23e: {  	v4 =	vld [tilespmem:s28+$0x39E0];
	_ =	sdelay $0x3  }
0x23f: {  	v5 =	vmax.f32 v3, v1;
	v6 =	vsub.f32 v2, v3;
	v7 =	vmin.f32 v3, v1  }
0x240: {  	v8 =	vmin.f32 v2, v4;
	v9 =	vsub.f32 v4, v1;
	v10 =	vmax.f32 v2, v4  }
0x241: {  	v5 =	vsub.f32 v8, v5;
	v8 =	vadd.f32 $1.000000010e-07, v6  }
0x242: {  	v7 =	vsub.f32 v10, v7;
	v10 =	vadd.f32 $1.000000010e-07, v9  }
0x243: {  	v2 =	vadd.f32 v2, v3;
	v1 =	vadd.f32 v4, v1;
	(erf) = vrcp.f32 v8  }
0x244: {  	v3 =	vld [tilespmem:s28+$0x31A0];
	(erf) = vrcp.f32 v10  }
0x245: {  	v1 =	vsub.f32 v2, v1;
	v4 =	vld [tilespmem:s28+$0x10A0]  }
0x246: {  	v2 =	vld [tilespmem:s28+$0x20]  }
0x247: {  	v8 =	vld [tilespmem:s28+$0x2120];
	_ =	sdelay $0x2  }
0x248: {  	v10 =	vmin.f32 v4, v3;
	v11 =	vmax.f32 v4, v3  }
0x249: {  	v12 =	vsub.f32 v4, v2;
	v13 =	vadd.f32 v4, v2  }
0x24a: {  	v16 =	vmax.f32 v2, v8;
	v14 =	vsub.f32 v3, v8;
	v15 =	vmin.f32 v2, v8;
	v2 =	vpop (erf)  }
0x24b: {  	v10 =	vsub.f32 v10, v16;
	v6 =	vmul.f32 v6, v12;
	v2 =	vmul.f32 v2, v12;
	v4 =	vpop (erf)  }
0x24c: {  	v5 =	vmax.f32 v5, $0.0e+00;
	v9 =	vmul.f32 v9, v14;
	v4 =	vmul.f32 v4, v14  }
0x24d: {  	v10 =	vmax.f32 v10, $0.0e+00;
	v12 =	vmin.f32 v2, $1.000000000e+00;
	v14 =	vmax.f32 v2, $1.000000000e+00  }
0x24e: {  	v16 =	vmin.f32 v4, $1.000000000e+00;
	v17 =	vmax.f32 v4, $1.000000000e+00;
	(erf) = vrcp.f32 v14  }
0x24f: {  	v6 =	vadd.f32 v9, v6;
	v9 =	vmul.f32 v16, v16;
	(erf) = vrcp.f32 v17  }
0x250: {  	v5 =	vmul.f32 v5, v10;
	v10 =	vsub.f32 v11, v15;
	v11 =	vmul.f32 v12, v12  }
0x251: {  	v3 =	vadd.f32 v3, v8;
	v8 =	vmul.f32 $2.932762030e-03, v9  }
0x252: {  	v6 =	vsub.f32 v6, v5;
	v10 =	vmul.f32 v10, v10;
	v14 =	vmul.f32 $2.932762030e-03, v11  }
0x253: {  	v7 =	vmul.f32 v7, v7;
	v3 =	vsub.f32 v13, v3;
	v8 =	vadd.f32 $-1.641319130e-02, v8  }
0x254: {  	v6 =	vadd.f32 $1.000000010e-07, v6;
	v13 =	vadd.f32 $-1.641319130e-02, v14  }
0x255: {  	v3 =	vmul.f32 v3, v3;
	v7 =	vadd.f32 v7, v10;
	v15 =	vmul.f32 v8, v9  }
0x256: {  	v10 =	vmul.f32 v13, v11;
	(erf) = vrcp.f32 v6  }
0x257: {  	v6 =	vmul.f32 $4.000000000e+00, v7;
	v7 =	vadd.f32 $4.327824340e-02, v15;
	v8 =	vpop (erf)  }
0x258: {  	v10 =	vadd.f32 $4.327824340e-02, v10;
	v13 =	vmul.f32 v8, v8;
	v14 =	vpop (erf)  }
0x259: {  	v6 =	vadd.f32 $4.000000050e-07, v6;
	v15 =	vmul.f32 v14, v14;
	v7 =	vmul.f32 v7, v9  }
0x25a: {  	v10 =	vmul.f32 v10, v11;
	v17 =	vmul.f32 $2.932762030e-03, v13  }
0x25b: {  	v18 =	vmul.f32 $2.932762030e-03, v15;
	v7 =	vadd.f32 $-7.556900380e-02, v7;
	(erf) = vrcp.f32 v6  }
0x25c: {  	v10 =	vadd.f32 $-7.556900380e-02, v10;
	v6 =	vadd.f32 $-1.641319130e-02, v17  }
0x25d: {  	v17 =	vadd.f32 $-1.641319130e-02, v18;
	v7 =	vmul.f32 v7, v9  }
0x25e: {  	v10 =	vmul.f32 v10, v11;
	v6 =	vmul.f32 v6, v13  }
0x25f: {  	v17 =	vmul.f32 v17, v15;
	v7 =	vadd.f32 $1.066748720e-01, v7;
	v18 =	vpop (erf)  }
0x260: {  	v10 =	vadd.f32 $1.066748720e-01, v10;
	v5 =	vmul.f32 v18, v5;
	v6 =	vadd.f32 $4.327824340e-02, v6  }
0x261: {  	v17 =	vadd.f32 $4.327824340e-02, v17;
	v7 =	vmul.f32 v7, v9  }
0x262: {  	v10 =	vmul.f32 v10, v11;
	v6 =	vmul.f32 v6, v13  }
0x263: {  	v17 =	vmul.f32 v17, v15;
	v7 =	vadd.f32 $-1.421110630e-01, v7  }
0x264: {  	v10 =	vadd.f32 $-1.421110630e-01, v10;
	v6 =	vadd.f32 $-7.556900380e-02, v6;
	v18 =	vpop (erf)  }
0x265: {  	v17 =	vadd.f32 $-7.556900380e-02, v17;
	v7 =	vmul.f32 v7, v9  }
0x266: {  	v10 =	vmul.f32 v10, v11;
	v6 =	vmul.f32 v6, v13  }
0x267: {  	v17 =	vmul.f32 v17, v15;
	v7 =	vadd.f32 $1.999369410e-01, v7  }
0x268: {  	v10 =	vadd.f32 $1.999369410e-01, v10;
	v6 =	vadd.f32 $1.066748720e-01, v6  }
0x269: {  	v17 =	vadd.f32 $1.066748720e-01, v17;
	v7 =	vmul.f32 v7, v9  }
0x26a: {  	v10 =	vmul.f32 v10, v11;
	v6 =	vmul.f32 v6, v13  }
0x26b: {  	v17 =	vmul.f32 v17, v15;
	v7 =	vadd.f32 $-3.333313760e-01, v7  }
0x26c: {  	v10 =	vadd.f32 $-3.333313760e-01, v10;
	v6 =	vadd.f32 $-1.421110630e-01, v6  }
0x26d: {  	v17 =	vadd.f32 $-1.421110630e-01, v17;
	v7 =	vmul.f32 v7, v9  }
0x26e: {  	v9 =	vmul.f32 v10, v11;
	v6 =	vmul.f32 v6, v13  }
0x26f: {  	v10 =	vmul.f32 v17, v15;
	v7 =	vadd.f32 $1.000000000e+00, v7  }
0x270: {  	v9 =	vadd.f32 $1.000000000e+00, v9;
	v6 =	vadd.f32 $1.999369410e-01, v6  }
0x271: {  	v10 =	vadd.f32 $1.999369410e-01, v10;
	v7 =	vmul.f32 v7, v16  }
0x272: {  	v9 =	vmul.f32 v9, v12;
	v6 =	vmul.f32 v6, v13  }
0x273: {  	v10 =	vmul.f32 v10, v15  }
0x274: {  	v6 =	vadd.f32 $-3.333313760e-01, v6  }
0x275: {  	v10 =	vadd.f32 $-3.333313760e-01, v10  }
0x276: {  	v6 =	vmul.f32 v6, v13  }
0x277: {  	v10 =	vmul.f32 v10, v15  }
0x278: {  	v6 =	vadd.f32 $1.000000000e+00, v6  }
0x279: {  	v10 =	vadd.f32 $1.000000000e+00, v10  }
0x27a: {  	v6 =	vmul.f32 v6, v8  }
0x27b: {  	v8 =	vmul.f32 v10, v14  }
0x27c: {  	v6 =	vsub.f32 $1.570796370e+00, v6  }
0x27d: {  	v8 =	vsub.f32 $1.570796370e+00, v8  }
0x27e: {  	vm0 =	vle.f32 v2, $1.000000000e+00;
	vm1 =	vle.f32 v4, $1.000000000e+00  }
0x27f: {  	v2 =	vsel vm0, v9, v6;
	v4 =	vsel vm1, v7, v8  }
0x280: {  	v2 =	vsub.f32 v2, v4;
	_ =	sdelay $0x1  }
0x281: {  	v4 =	vmul.f32 $4.052847330e-01, v2;
	_ =	sdelay $0x1  }
0x282: {  	v2 =	vmul.f32 v4, v2;
	_ =	sdelay $0x1  }
0x283: {  	v4 =	vsub.f32 v2, v5;
	_ =	sdelay $0x1  }
0x284: {  	v4 =	vadd.f32 $1.000000000e+00, v4;
	_ =	sdelay $0x1  }
0x285: {  	v4 =	vadd.f32 $1.000000010e-07, v4;
	_ =	sdelay $0x1  }
0x286: {  	(erf) = vrcp.f32 v4;
	_ =	sdelay $0x5  }
0x287: {  	v1 =	vmul.f32 v1, v1;
	_ =	sdelay $0x1  }
0x288: {  	v1 =	vadd.f32 v1, v3  }
0x289: {  	v3 =	vpop (erf)  }
0x28a: {  	v1 =	vmul.f32 v18, v1;
	v3 =	vmul.f32 v3, v2;
	_ =	sdelay $0x1  }
0x28b: {  	v1 =	vsub.f32 v5, v1;
	v2 =	vmul.f32 v3, v2  }
0x28c: {  	v3 =	vld [tilespmem:s28+$0x4220]  }
0x28d: {  	v1 =	vsub.f32 v2, v1;
	_ =	sdelay $0x1  }
0x28e: {  	v1 =	vadd.f32 $1.000000000e+00, v1;
	_ =	sdelay $0x1  }
0x28f: {  	v1 =	vmul.f32 v1, v3;
	_ =	sdelay $0x1  }
0x290: {  	v0 =	vadd.f32 v1, v0;
	_ =	sdelay $0x1  }
0x291: {  	[tilespmem:$0x4A80] =	vst v0  }
0x292: {  	v2 =	vld [tilespmem:s28+$0x870]  }
0x293: {  	v3 =	vld [tilespmem:s28+$0x39F0]  }
0x294: {  	v4 =	vld [tilespmem:s28+$0x18F0]  }
0x295: {  	v5 =	vld [tilespmem:s28+$0x2970]  }
0x296: {  	v6 =	vld [tilespmem:s28+$0x30]  }
0x297: {  	v7 =	vld [tilespmem:s28+$0x10B0]  }
0x298: {  	v8 =	vld [tilespmem:s28+$0x2130]  }
0x299: {  	v9 =	vld [tilespmem:s28+$0x31B0];
	v10 =	vmin.f32 v4, v3;
	v11 =	vsub.f32 v4, v2;
	v12 =	vmax.f32 v4, v3  }
0x29a: {  	v1 =	vld [tilespmem:s28+$0x4230];
	v13 =	vmax.f32 v2, v5;
	v14 =	vsub.f32 v3, v5;
	v15 =	vmin.f32 v2, v5  }
0x29b: {  	v10 =	vsub.f32 v10, v13;
	v13 =	vadd.f32 $1.000000010e-07, v11  }
0x29c: {  	v12 =	vsub.f32 v12, v15;
	v15 =	vadd.f32 $1.000000010e-07, v14  }
0x29d: {  	v17 =	vadd.f32 v7, v6;
	v16 =	vmax.f32 v6, v8;
	(erf) = vrcp.f32 v13  }
0x29e: {  	v13 =	vmin.f32 v7, v9;
	v18 =	vsub.f32 v9, v8;
	(erf) = vrcp.f32 v15  }
0x29f: {  	v15 =	vmax.f32 v7, v9;
	v13 =	vsub.f32 v13, v16;
	v16 =	vmin.f32 v6, v8  }
0x2a0: {  	v8 =	vadd.f32 v9, v8;
	v14 =	vmul.f32 v14, v18;
	v9 =	vsub.f32 v15, v16  }
0x2a1: {  	v2 =	vadd.f32 v4, v2;
	v3 =	vadd.f32 v3, v5;
	v13 =	vmax.f32 v13, $0.0e+00  }
0x2a2: {  	v4 =	vsub.f32 v17, v8;
	v8 =	vmul.f32 v12, v12;
	v5 =	vmul.f32 v9, v9  }
0x2a3: {  	v3 =	vsub.f32 v2, v3  }
0x2a4: {  	v2 =	vmul.f32 v4, v4;
	v8 =	vadd.f32 v8, v5  }
0x2a5: {  	v5 =	vsub.f32 v7, v6  }
0x2a6: {  	v6 =	vmul.f32 $4.000000000e+00, v8;
	v4 =	vpop (erf)  }
0x2a7: {  	v7 =	vmax.f32 v10, $0.0e+00;
	v8 =	vmul.f32 v11, v5;
	v5 =	vmul.f32 v4, v5;
	v9 =	vpop (erf)  }
0x2a8: {  	v4 =	vmul.f32 v7, v13;
	v6 =	vadd.f32 $4.000000050e-07, v6;
	v7 =	vmul.f32 v9, v18  }
0x2a9: {  	v8 =	vadd.f32 v14, v8;
	v9 =	vmin.f32 v5, $1.000000000e+00;
	v10 =	vmax.f32 v5, $1.000000000e+00  }
0x2aa: {  	v11 =	vmin.f32 v7, $1.000000000e+00;
	v12 =	vmax.f32 v7, $1.000000000e+00;
	(erf) = vrcp.f32 v10  }
0x2ab: {  	v8 =	vsub.f32 v8, v4;
	v10 =	vmul.f32 v11, v11;
	(erf) = vrcp.f32 v12  }
0x2ac: {  	v12 =	vmul.f32 v9, v9;
	(erf) = vrcp.f32 v6  }
0x2ad: {  	v8 =	vadd.f32 $1.000000010e-07, v8;
	v6 =	vmul.f32 $2.932762030e-03, v10  }
0x2ae: {  	v13 =	vmul.f32 $2.932762030e-03, v12  }
0x2af: {  	v6 =	vadd.f32 $-1.641319130e-02, v6  }
0x2b0: {  	v13 =	vadd.f32 $-1.641319130e-02, v13  }
0x2b1: {  	v6 =	vmul.f32 v6, v10  }
0x2b2: {  	v13 =	vmul.f32 v13, v12  }
0x2b3: {  	v19 =	vadd.f32 $4.327824340e-02, v6;
	v14 =	vpop (erf)  }
0x2b4: {  	v13 =	vadd.f32 $4.327824340e-02, v13;
	v15 =	vmul.f32 v14, v14;
	v16 =	vpop (erf)  }
0x2b5: {  	v17 =	vmul.f32 v16, v16;
	v18 =	vmul.f32 v19, v10;
	v6 =	vpop (erf)  }
0x2b6: {  	v13 =	vmul.f32 v13, v12;
	v19 =	vmul.f32 $2.932762030e-03, v15  }
0x2b7: {  	v20 =	vmul.f32 $2.932762030e-03, v17;
	v18 =	vadd.f32 $-7.556900380e-02, v18  }
0x2b8: {  	v13 =	vadd.f32 $-7.556900380e-02, v13;
	v19 =	vadd.f32 $-1.641319130e-02, v19  }
0x2b9: {  	v20 =	vadd.f32 $-1.641319130e-02, v20;
	v18 =	vmul.f32 v18, v10  }
0x2ba: {  	v13 =	vmul.f32 v13, v12;
	v19 =	vmul.f32 v19, v15  }
0x2bb: {  	v20 =	vmul.f32 v20, v17;
	v18 =	vadd.f32 $1.066748720e-01, v18  }
0x2bc: {  	v13 =	vadd.f32 $1.066748720e-01, v13;
	v19 =	vadd.f32 $4.327824340e-02, v19  }
0x2bd: {  	v20 =	vadd.f32 $4.327824340e-02, v20;
	v18 =	vmul.f32 v18, v10  }
0x2be: {  	v13 =	vmul.f32 v13, v12;
	v19 =	vmul.f32 v19, v15  }
0x2bf: {  	v20 =	vmul.f32 v20, v17;
	v18 =	vadd.f32 $-1.421110630e-01, v18  }
0x2c0: {  	v13 =	vadd.f32 $-1.421110630e-01, v13;
	v19 =	vadd.f32 $-7.556900380e-02, v19  }
0x2c1: {  	v20 =	vadd.f32 $-7.556900380e-02, v20;
	v18 =	vmul.f32 v18, v10  }
0x2c2: {  	v13 =	vmul.f32 v13, v12;
	v19 =	vmul.f32 v19, v15  }
0x2c3: {  	v20 =	vmul.f32 v20, v17;
	v18 =	vadd.f32 $1.999369410e-01, v18  }
0x2c4: {  	v13 =	vadd.f32 $1.999369410e-01, v13;
	v19 =	vadd.f32 $1.066748720e-01, v19  }
0x2c5: {  	v20 =	vadd.f32 $1.066748720e-01, v20;
	v18 =	vmul.f32 v18, v10  }
0x2c6: {  	v13 =	vmul.f32 v13, v12;
	v19 =	vmul.f32 v19, v15  }
0x2c7: {  	v20 =	vmul.f32 v20, v17;
	v18 =	vadd.f32 $-3.333313760e-01, v18  }
0x2c8: {  	v13 =	vadd.f32 $-3.333313760e-01, v13;
	v19 =	vadd.f32 $-1.421110630e-01, v19  }
0x2c9: {  	v20 =	vadd.f32 $-1.421110630e-01, v20;
	v10 =	vmul.f32 v18, v10  }
0x2ca: {  	v12 =	vmul.f32 v13, v12;
	v18 =	vmul.f32 v19, v15  }
0x2cb: {  	v13 =	vmul.f32 v20, v17;
	v10 =	vadd.f32 $1.000000000e+00, v10  }
0x2cc: {  	v12 =	vadd.f32 $1.000000000e+00, v12;
	v18 =	vadd.f32 $1.999369410e-01, v18  }
0x2cd: {  	v13 =	vadd.f32 $1.999369410e-01, v13;
	v10 =	vmul.f32 v10, v11  }
0x2ce: {  	v9 =	vmul.f32 v12, v9;
	v11 =	vmul.f32 v18, v15  }
0x2cf: {  	v12 =	vmul.f32 v13, v17  }
0x2d0: {  	v11 =	vadd.f32 $-3.333313760e-01, v11  }
0x2d1: {  	v12 =	vadd.f32 $-3.333313760e-01, v12  }
0x2d2: {  	v11 =	vmul.f32 v11, v15  }
0x2d3: {  	v12 =	vmul.f32 v12, v17  }
0x2d4: {  	v11 =	vadd.f32 $1.000000000e+00, v11  }
0x2d5: {  	v12 =	vadd.f32 $1.000000000e+00, v12  }
0x2d6: {  	v11 =	vmul.f32 v11, v14;
	(erf) = vrcp.f32 v8  }
0x2d7: {  	v8 =	vmul.f32 v12, v16  }
0x2d8: {  	v11 =	vsub.f32 $1.570796370e+00, v11  }
0x2d9: {  	v8 =	vsub.f32 $1.570796370e+00, v8  }
0x2da: {  	vm0 =	vle.f32 v5, $1.000000000e+00;
	vm1 =	vle.f32 v7, $1.000000000e+00  }
0x2db: {  	v5 =	vsel vm0, v9, v11;
	v7 =	vsel vm1, v10, v8  }
0x2dc: {  	v5 =	vsub.f32 v5, v7;
	_ =	sdelay $0x1  }
0x2dd: {  	v7 =	vmul.f32 $4.052847330e-01, v5  }
0x2de: {  	v8 =	vpop (erf)  }
0x2df: {  	v4 =	vmul.f32 v8, v4;
	v5 =	vmul.f32 v7, v5;
	_ =	sdelay $0x1  }
0x2e0: {  	v7 =	vsub.f32 v5, v4;
	_ =	sdelay $0x1  }
0x2e1: {  	v7 =	vadd.f32 $1.000000000e+00, v7;
	_ =	sdelay $0x1  }
0x2e2: {  	v7 =	vadd.f32 $1.000000010e-07, v7;
	_ =	sdelay $0x1  }
0x2e3: {  	(erf) = vrcp.f32 v7;
	_ =	sdelay $0x5  }
0x2e4: {  	v7 =	vmul.f32 v3, v3;
	_ =	sdelay $0x1  }
.Ltmp0:
0x2e5: {  	v2 =	vadd.f32 v7, v2;
	(pc) =	sbr.rel @p0 .LBB2_2-.Ltmp0, $3  }
0x2e6: {  	v3 =	vpop (erf)  }
0x2e7: {  	v2 =	vmul.f32 v6, v2;
	v3 =	vmul.f32 v3, v5;
	_ =	sdelay $0x1  }
0x2e8: {  	v2 =	vsub.f32 v4, v2;
	v3 =	vmul.f32 v3, v5  }
0x2e9: {  	_ = 	snop  }
0x2ea: {  	v2 =	vsub.f32 v3, v2;
	_ =	sdelay $0x1  }
0x2eb: {  	v2 =	vadd.f32 $1.000000000e+00, v2;
	_ =	sdelay $0x1  }
0x2ec: {  	v1 =	vmul.f32 v2, v1;
	_ =	sdelay $0x1  }
0x2ed: {  	s24 =	sadd.s32 $0x1, s24;
	v0 =	vadd.f32 v1, v0  }
0x2ee: {  	p0 =	sne.s32 s24, s13  }
.Ltmp1:
0x2ef: {  	[tilespmem:$0x4A80] =	vst v0;
	(pc) =	sbr.rel @p0 .LBB2_1-.Ltmp1, $4  }
0x2f0: {  	[hbm4b:s12+s2] =	stream.linear.scatter [tilespmem:s23], [sflag:$0x1], $0x80, $0x38;
	[tilespmem:$0x4B00] =	vst v63  }
0x2f1: {  	_ =	swait.ge [sflag:s14], $0x80  }
0x2f2: {  	[sflag:s14] =	ssyncset.done $0x0  }
0x2f3: {  	[sflag:s14] =	ssyncadd.s32 $0xFFFFFF80  }
0x2f4: {  	_ =	sfence.sel $0x180000  }
0x2f5: {  	[bflag:$0x0] =	sbarrier.arrive $0xFFFF  }
0x2f6: {  	p0 =	sne.s32 s0, $0x0;
	_ =	strace $0x90000047  }
0x2f7: {  	s0 =	sadd.s32 @!p0 $0x100000, s1;
	[bflag:$0x2] =	sbarrier.arrive $0xFFFF  }
0x2f8: {  	[sflag:s0] =	ssyncadd.tile.s32 @!p0 $0x1;
	_ =	shalt  }
.Lfunc_end2:
_tile_overlayer_lowered:
.L_overlay_start_2:
0x2f9: {  	(tag) =	ssettag $0x2  }
0x2fa: {  	s0 =	rddreg [dreg:$0x0];
	s2 =	stileid.u32  }
0x2fb: {  	s1 =	rddreg [dreg:$0x1];
	p0 =	sne.s32 s2, $0x0  }
0x2fc: {  	s3 =	rddreg [dreg:$0x2];
	[bflag:$0x3] =	sbarrier.arrive $0xFFFF;
	s2 =	simm.s32 @!p0 $0x1C01  }
0x2fd: {  	[timem:s3], [sflag:s2] =	dma.local @!p0 [hbm:s0], s1  }
0x2fe: {  	s0 =	simm.s32 @!p0 $0x1  }
0x2ff: {  	_ =	swait.ge @!p0 [sflag:s0], s1  }
0x300: {  	s1 =	ssub.s32 @!p0 $0x0, s1;
	[sflag:s0] =	ssyncset.done @!p0 $0x0  }
0x301: {  	[sflag:s0] =	ssyncadd.s32 @!p0 s1  }
0x302: {  	[bflag:$0x3] =	sbarrier.arrive $0xFFFF  }
0x303: {  	_ =	shalt  }

</sc_bundles>
